<compile_context>
chip_gen: v7x
topology: tpu7x:2x2x1
jax: 0.10.2.dev20260603
libtpu: 0.0.44.dev20260713+nightly
codegen_flags: <defaults>
</compile_context>

<pallas_src>
import functools
import jax
import jax.numpy as jnp
from jax import lax
from jax.experimental import pallas as pl
from jax.experimental.pallas import tpu as pltpu
from jax.experimental.pallas import tpu_sc as plsc

N_FINE = 65536
N_COARSE = 8192
D_IN = 256
D_SKIP = 128
K = 3


_FB = 256


def _knn_body(ps_ref, postm2_ref, csq_ref,
              i0_ref, i1_ref, i2_ref, w0_ref, w1_ref, w2_ref):
    ps = ps_ref[...]
    psq = jnp.sum(ps * ps, axis=1, keepdims=True)
    cross = jnp.dot(ps, postm2_ref[...],
                    preferred_element_type=jnp.float32,
                    precision=lax.Precision.HIGHEST)
    d2 = cross + csq_ref[...]
    iota = lax.broadcasted_iota(jnp.int32, (_FB, N_COARSE), 1).astype(
        jnp.float32)
    big = jnp.float32(3.0e38)

    def argmin_pass(d):
        m = jnp.min(d, axis=1, keepdims=True)
        s = jnp.min(jnp.where(d == m, iota, big), axis=1, keepdims=True)
        return m, s

    m1, s1 = argmin_pass(d2)
    d2 = jnp.where(iota == s1, big, d2)
    m2, s2 = argmin_pass(d2)
    d2 = jnp.where(iota == s2, big, d2)
    m3, s3 = argmin_pass(d2)

    w1 = 1.0 / jnp.maximum(m1 + psq, 1e-16)
    w2 = 1.0 / jnp.maximum(m2 + psq, 1e-16)
    w3 = 1.0 / jnp.maximum(m3 + psq, 1e-16)
    ws = w1 + w2 + w3
    i0_ref[...] = s1.astype(jnp.int32)
    i1_ref[...] = s2.astype(jnp.int32)
    i2_ref[...] = s3.astype(jnp.int32)
    w0_ref[...] = w1 / ws
    w1_ref[...] = w2 / ws
    w2_ref[...] = w3 / ws


def _knn(pos_skip, postm2, csq):
    n = pos_skip.shape[0]
    nblk = n // _FB
    col = pl.BlockSpec((_FB, 1), lambda i: (i, 0))
    return pl.pallas_call(
        _knn_body,
        grid=(nblk,),
        in_specs=[
            pl.BlockSpec((_FB, 3), lambda i: (i, 0)),
            pl.BlockSpec((3, N_COARSE), lambda i: (0, 0)),
            pl.BlockSpec((1, N_COARSE), lambda i: (0, 0)),
        ],
        out_specs=[col, col, col, col, col, col],
        out_shape=[
            jax.ShapeDtypeStruct((n, 1), jnp.int32),
            jax.ShapeDtypeStruct((n, 1), jnp.int32),
            jax.ShapeDtypeStruct((n, 1), jnp.int32),
            jax.ShapeDtypeStruct((n, 1), jnp.float32),
            jax.ShapeDtypeStruct((n, 1), jnp.float32),
            jax.ShapeDtypeStruct((n, 1), jnp.float32),
        ],
    )(pos_skip, postm2, csq)



_NW = 32
_BPW = N_FINE // _NW
_C = 64
_NCHUNK = _BPW // _C


def _gc_body(bpw, nchunk, i0h, i1h, i2h, w0h, w1h, w2h, xh, yh,
             i0v, i1v, i2v, w0v, w1v, w2v, r0, r1, r2, yv,
             s0, s1, s2):
    wid = lax.axis_index("s") * 2 + lax.axis_index("c")
    wbase = wid * bpw

    def chunk(c, carry):
        base = wbase + c * _C
        pltpu.sync_copy(i0h.at[pl.ds(base, _C)], i0v)
        pltpu.sync_copy(i1h.at[pl.ds(base, _C)], i1v)
        pltpu.sync_copy(i2h.at[pl.ds(base, _C)], i2v)
        pltpu.sync_copy(w0h.at[pl.ds(base, _C)], w0v.at[pl.ds(0, _C)])
        pltpu.sync_copy(w1h.at[pl.ds(base, _C)], w1v.at[pl.ds(0, _C)])
        pltpu.sync_copy(w2h.at[pl.ds(base, _C)], w2v.at[pl.ds(0, _C)])
        cp0 = pltpu.async_copy(xh.at[i0v], r0, s0)
        cp1 = pltpu.async_copy(xh.at[i1v], r1, s1)
        cp2 = pltpu.async_copy(xh.at[i2v], r2, s2)
        cp0.wait()
        cp1.wait()
        cp2.wait()

        def row(i, carry2):
            a0 = jnp.full((16,), w0v[pl.ds(i, 16)][0], dtype=jnp.float32)
            a1 = jnp.full((16,), w1v[pl.ds(i, 16)][0], dtype=jnp.float32)
            a2 = jnp.full((16,), w2v[pl.ds(i, 16)][0], dtype=jnp.float32)
            for f in range(D_IN // 16):
                sl = pl.ds(f * 16, 16)
                yv[i, sl] = (a0 * r0[i, sl] + a1 * r1[i, sl]
                             + a2 * r2[i, sl])
            return carry2

        lax.fori_loop(0, _C, row, None)
        pltpu.sync_copy(yv, yh.at[pl.ds(base, _C)])
        return carry

    lax.fori_loop(0, nchunk, chunk, None)


def _gather_combine(i0, i1, i2, w0, w1, w2, x):
    n = i0.shape[0]
    bpw = n // _NW
    nchunk = bpw // _C
    mesh = plsc.VectorSubcoreMesh(core_axis_name="c", subcore_axis_name="s")
    fn = functools.partial(
        pl.kernel,
        mesh=mesh,
        out_type=jax.ShapeDtypeStruct((n, D_IN), jnp.float32),
        scratch_types=[
            pltpu.VMEM((_C,), jnp.int32),
            pltpu.VMEM((_C,), jnp.int32),
            pltpu.VMEM((_C,), jnp.int32),
            pltpu.VMEM((_C + 16,), jnp.float32),
            pltpu.VMEM((_C + 16,), jnp.float32),
            pltpu.VMEM((_C + 16,), jnp.float32),
            pltpu.VMEM((_C, D_IN), jnp.float32),
            pltpu.VMEM((_C, D_IN), jnp.float32),
            pltpu.VMEM((_C, D_IN), jnp.float32),
            pltpu.VMEM((_C, D_IN), jnp.float32),
            pltpu.SemaphoreType.DMA,
            pltpu.SemaphoreType.DMA,
            pltpu.SemaphoreType.DMA,
        ],
    )(functools.partial(_gc_body, bpw, nchunk))
    return fn(i0, i1, i2, w0, w1, w2, x)



_MB = 2048


def _mlp1_body(y_ref, xs_ref, w1a_ref, w1b_ref, b1_ref, h_ref, s_ref, q_ref):
    i = pl.program_id(0)
    h = jnp.dot(y_ref[...], w1a_ref[...], preferred_element_type=jnp.float32,
                precision=lax.Precision.HIGHEST)
    h = h + jnp.dot(xs_ref[...], w1b_ref[...],
                    preferred_element_type=jnp.float32,
                    precision=lax.Precision.HIGHEST)
    h = jnp.maximum(h + b1_ref[...], 0.0)
    h_ref[...] = h
    ps = jnp.sum(h, axis=0, keepdims=True)
    pq = jnp.sum(h * h, axis=0, keepdims=True)

    @pl.when(i == 0)
    def _():
        s_ref[...] = ps
        q_ref[...] = pq

    @pl.when(i != 0)
    def _():
        s_ref[...] = s_ref[...] + ps
        q_ref[...] = q_ref[...] + pq


def _mlp1(y, x_skip, W1a, W1b, b1):
    n = y.shape[0]
    nblk = n // _MB
    return pl.pallas_call(
        _mlp1_body,
        grid=(nblk,),
        in_specs=[
            pl.BlockSpec((_MB, D_IN), lambda i: (i, 0)),
            pl.BlockSpec((_MB, D_SKIP), lambda i: (i, 0)),
            pl.BlockSpec((D_IN, 256), lambda i: (0, 0)),
            pl.BlockSpec((D_SKIP, 256), lambda i: (0, 0)),
            pl.BlockSpec((1, 256), lambda i: (0, 0)),
        ],
        out_specs=[
            pl.BlockSpec((_MB, 256), lambda i: (i, 0)),
            pl.BlockSpec((1, 256), lambda i: (0, 0)),
            pl.BlockSpec((1, 256), lambda i: (0, 0)),
        ],
        out_shape=[
            jax.ShapeDtypeStruct((n, 256), jnp.float32),
            jax.ShapeDtypeStruct((1, 256), jnp.float32),
            jax.ShapeDtypeStruct((1, 256), jnp.float32),
        ],
    )(y, x_skip, W1a, W1b, b1)


def _mlp2_body(h_ref, s_ref, q_ref, g1_ref, be1_ref, w2_ref, b2_ref,
               h2_ref, s2_ref, q2_ref):
    i = pl.program_id(0)
    n = jnp.float32(N_FINE)
    m1 = s_ref[...] / n
    v1 = q_ref[...] / n - m1 * m1
    sc = g1_ref[...] / jnp.sqrt(v1 + 1e-5)
    w2_eff = w2_ref[...] * jnp.transpose(sc)
    c = jnp.dot(be1_ref[...] - m1 * sc, w2_ref[...],
                preferred_element_type=jnp.float32,
                precision=lax.Precision.HIGHEST) + b2_ref[...]
    h2 = jnp.dot(h_ref[...], w2_eff, preferred_element_type=jnp.float32,
                 precision=lax.Precision.HIGHEST)
    h2 = jnp.maximum(h2 + c, 0.0)
    h2_ref[...] = h2
    ps = jnp.sum(h2, axis=0, keepdims=True)
    pq = jnp.sum(h2 * h2, axis=0, keepdims=True)

    @pl.when(i == 0)
    def _():
        s2_ref[...] = ps
        q2_ref[...] = pq

    @pl.when(i != 0)
    def _():
        s2_ref[...] = s2_ref[...] + ps
        q2_ref[...] = q2_ref[...] + pq


def _mlp2(h1, s1, q1, g1, be1, W2, b2):
    n = h1.shape[0]
    nblk = n // _MB
    return pl.pallas_call(
        _mlp2_body,
        grid=(nblk,),
        in_specs=[
            pl.BlockSpec((_MB, 256), lambda i: (i, 0)),
            pl.BlockSpec((1, 256), lambda i: (0, 0)),
            pl.BlockSpec((1, 256), lambda i: (0, 0)),
            pl.BlockSpec((1, 256), lambda i: (0, 0)),
            pl.BlockSpec((1, 256), lambda i: (0, 0)),
            pl.BlockSpec((256, 128), lambda i: (0, 0)),
            pl.BlockSpec((1, 128), lambda i: (0, 0)),
        ],
        out_specs=[
            pl.BlockSpec((_MB, 128), lambda i: (i, 0)),
            pl.BlockSpec((1, 128), lambda i: (0, 0)),
            pl.BlockSpec((1, 128), lambda i: (0, 0)),
        ],
        out_shape=[
            jax.ShapeDtypeStruct((n, 128), jnp.float32),
            jax.ShapeDtypeStruct((1, 128), jnp.float32),
            jax.ShapeDtypeStruct((1, 128), jnp.float32),
        ],
    )(h1, s1, q1, g1, be1, W2, b2)


def _fin_body(h2_ref, s_ref, q_ref, g2_ref, be2_ref, o_ref):
    n = jnp.float32(N_FINE)
    m = s_ref[...] / n
    v = q_ref[...] / n - m * m
    sc = g2_ref[...] / jnp.sqrt(v + 1e-5)
    o_ref[...] = (h2_ref[...] - m) * sc + be2_ref[...]


def _fin(h2, s2, q2, g2, be2):
    n = h2.shape[0]
    nblk = n // _MB
    return pl.pallas_call(
        _fin_body,
        grid=(nblk,),
        in_specs=[
            pl.BlockSpec((_MB, 128), lambda i: (i, 0)),
            pl.BlockSpec((1, 128), lambda i: (0, 0)),
            pl.BlockSpec((1, 128), lambda i: (0, 0)),
            pl.BlockSpec((1, 128), lambda i: (0, 0)),
            pl.BlockSpec((1, 128), lambda i: (0, 0)),
        ],
        out_specs=pl.BlockSpec((_MB, 128), lambda i: (i, 0)),
        out_shape=jax.ShapeDtypeStruct((n, 128), jnp.float32),
    )(h2, s2, q2, g2, be2)



@jax.jit
def _run(x, pos, x_skip, pos_skip, W1, b1, g1, be1, W2, b2, g2, be2):
    postm2 = -2.0 * jnp.transpose(pos)
    csq = jnp.sum(pos * pos, axis=1)[None, :]
    W1a = W1[:D_IN]
    W1b = W1[D_IN:]
    knn_out = _knn(pos_skip, postm2, csq)
    i0, i1, i2, w0, w1, w2 = [a.reshape(N_FINE) for a in knn_out]
    y = _gather_combine(i0, i1, i2, w0, w1, w2, x)
    h1, s1, q1 = _mlp1(y, x_skip, W1a, W1b, b1.reshape(1, -1))
    h2, s2, q2 = _mlp2(h1, s1, q1, g1.reshape(1, -1), be1.reshape(1, -1),
                       W2, b2.reshape(1, -1))
    return _fin(h2, s2, q2, g2.reshape(1, -1), be2.reshape(1, -1))


def kernel(x, pos, batch, x_skip, pos_skip, batch_skip, W1, b1, g1, be1,
           W2, b2, g2, be2):
    out = _run(x, pos, x_skip, pos_skip, W1, b1, g1, be1, W2, b2, g2, be2)
    return (out, pos_skip, batch_skip)

# --- scband reference (transcript-rebuilt; emitter-appended) ---
"""Pipeline reference for scband-point-net2-segm-28123445854322 (READ-ONLY COPY).

The authoritative reference and input builder live on the scoring server;
editing this copy changes nothing except your own understanding.
"""

import jax, jax.numpy as jnp
import numpy as np

N_FINE = 65536
N_COARSE = 8192
D_IN = 256
D_SKIP = 128
K = 3
N_CHUNKS = 8


def _knn_idx(pos_skip, pos):
    # brute-force kNN from fine points to coarse points, chunked to bound memory
    chunks = pos_skip.reshape(N_CHUNKS, -1, 3)
    def f(c):
        d2 = jnp.sum((c[:, None, :] - pos[None, :, :]) ** 2, axis=-1)
        _, idx = jax.lax.top_k(-d2, K)
        return idx
    return jax.lax.map(f, chunks).reshape(-1, K)


def _bn(h, g, b):
    # BatchNorm1d in training mode (biased variance), as in torch_geometric MLP
    m = jnp.mean(h, axis=0)
    v = jnp.var(h, axis=0)
    return (h - m) / jnp.sqrt(v + 1e-5) * g + b


def setup_inputs(seed: int = 0):
    key = jax.random.key(seed)
    ks = jax.random.split(key, 8)
    return {
        "x": jax.random.normal(ks[0], (N_COARSE, D_IN), dtype=jnp.float32),
        "pos": jax.random.normal(ks[1], (N_COARSE, 3), dtype=jnp.float32),
        "batch": jnp.zeros((N_COARSE,), dtype=jnp.int32),
        "x_skip": jax.random.normal(ks[2], (N_FINE, D_SKIP), dtype=jnp.float32),
        "pos_skip": jax.random.normal(ks[3], (N_FINE, 3), dtype=jnp.float32),
        "batch_skip": jnp.zeros((N_FINE,), dtype=jnp.int32),
        "W1": jax.random.normal(ks[4], (D_IN + D_SKIP, 256), dtype=jnp.float32) * 0.05,
        "b1": jnp.zeros((256,), dtype=jnp.float32),
        "g1": jnp.ones((256,), dtype=jnp.float32),
        "be1": jnp.zeros((256,), dtype=jnp.float32),
        "W2": jax.random.normal(ks[5], (256, 128), dtype=jnp.float32) * 0.05,
        "b2": jnp.zeros((128,), dtype=jnp.float32),
        "g2": jnp.ones((128,), dtype=jnp.float32),
        "be2": jnp.zeros((128,), dtype=jnp.float32),
    }


def reference(x, pos, batch, x_skip, pos_skip, batch_skip, W1, b1, g1, be1, W2, b2, g2, be2):
    # knn_interpolate (PyG semantics): k nearest coarse points per fine point,
    # inverse-squared-distance weights, weighted mean of coarse features.
    idx = _knn_idx(jax.lax.stop_gradient(pos_skip), jax.lax.stop_gradient(pos))  # [N_FINE, K]
    diff = pos_skip[:, None, :] - pos[idx]            # [N_FINE, K, 3]
    d2 = jnp.sum(diff * diff, axis=-1)                # [N_FINE, K]
    w = 1.0 / jnp.maximum(d2, 1e-16)
    y = jnp.sum(w[:, :, None] * x[idx], axis=1) / jnp.sum(w, axis=1, keepdims=True)  # [N_FINE, 256]
    # use_skip=True -> concat skip features
    h = jnp.concatenate([y, x_skip], axis=1)          # [N_FINE, 384]
    # nn = MLP([384, 256, 128]) = (Lin -> ReLU -> BN) x 2
    h = _bn(jax.nn.relu(h @ W1 + b1), g1, be1)
    h = _bn(jax.nn.relu(h @ W2 + b2), g2, be2)
    return (h, pos_skip, batch_skip)

if __name__ == "__main__":
    import jax
    _d = setup_inputs()
    print(jax.jit(kernel)(*tuple(_d.values())))

</pallas_src>

<mosaic_0001>
#map = affine_map<(d0, d1) -> (0)>
#map1 = affine_map<(d0, d1) -> (0, 0)>
module attributes {stable_mosaic.version = 14 : i64} {
  func.func @_gc_body(%arg0: i32, %arg1: i32, %arg2: memref<65536xi32, #tpu.memory_space<hbm>>, %arg3: memref<65536xi32, #tpu.memory_space<hbm>>, %arg4: memref<65536xi32, #tpu.memory_space<hbm>>, %arg5: memref<65536xf32, #tpu.memory_space<hbm>>, %arg6: memref<65536xf32, #tpu.memory_space<hbm>>, %arg7: memref<65536xf32, #tpu.memory_space<hbm>>, %arg8: memref<8192x256xf32, #tpu.memory_space<hbm>>, %arg9: memref<65536x256xf32, #tpu.memory_space<hbm>>, %arg10: memref<64xi32, #tpu.memory_space<vmem>>, %arg11: memref<64xi32, #tpu.memory_space<vmem>>, %arg12: memref<64xi32, #tpu.memory_space<vmem>>, %arg13: memref<80xf32, #tpu.memory_space<vmem>>, %arg14: memref<80xf32, #tpu.memory_space<vmem>>, %arg15: memref<80xf32, #tpu.memory_space<vmem>>, %arg16: memref<64x256xf32, #tpu.memory_space<vmem>>, %arg17: memref<64x256xf32, #tpu.memory_space<vmem>>, %arg18: memref<64x256xf32, #tpu.memory_space<vmem>>, %arg19: memref<64x256xf32, #tpu.memory_space<vmem>>, %arg20: memref<!tpu.dma_semaphore, #tpu.memory_space<semaphore_mem>>, %arg21: memref<!tpu.dma_semaphore, #tpu.memory_space<semaphore_mem>>, %arg22: memref<!tpu.dma_semaphore, #tpu.memory_space<semaphore_mem>>) attributes {dimension_semantics = [#tpu.dimension_semantics<core_parallel>, #tpu.dimension_semantics<subcore_parallel>], iteration_bounds = array<i64: 2, 16>, scalar_prefetch = 0 : i64, scratch_operands = 13 : i64, tpu.core_type = #tpu.core_type<sc_vector_subcore>, window_params = [{transform_indices = #map}, {transform_indices = #map}, {transform_indices = #map}, {transform_indices = #map}, {transform_indices = #map}, {transform_indices = #map}, {transform_indices = #map1}, {transform_indices = #map1}]} {
    %mul3A = arith.constant 2 : i32
    %mul3A_0 = arith.muli %arg1, %mul3A : i32
    %add3A = arith.addi %mul3A_0, %arg0 : i32
    %mul3A_1 = arith.constant 2048 : i32
    %mul3A_2 = arith.muli %add3A, %mul3A_1 : i32
    %scan3A = arith.constant 0 : i32
    %scan3A_3 = arith.constant 32 : i32
    %scan3A_4 = arith.addi %scan3A, %scan3A_3 : i32
    %scan3A_5 = arith.constant 1 : i32
    scf.for %scan3A_7 = %scan3A to %scan3A_4 step %scan3A_5  : i32 {
      %mul3A_8 = arith.constant 64 : i32
      %mul3A_9 = arith.muli %scan3A_7, %mul3A_8 : i32
      %add3A_10 = arith.addi %mul3A_2, %mul3A_9 : i32
      "tpu.region"() ({
        %run_scoped3A = tpu.sem_alloc : memref<!tpu.dma_semaphore, #tpu.memory_space<semaphore_mem>>
        %dma_start3A_32 = tpu.memref_slice %arg2[%add3A_10] : memref<65536xi32, #tpu.memory_space<hbm>> -> memref<64xi32, #tpu.memory_space<hbm>>
        %dma_start3A_33 = tpu.memref_slice %arg2[%add3A_10] : memref<65536xi32, #tpu.memory_space<hbm>> -> memref<64xi32, #tpu.memory_space<hbm>>
        tpu.enqueue_dma source(%dma_start3A_33 : memref<64xi32, #tpu.memory_space<hbm>>) target(%arg10 : memref<64xi32, #tpu.memory_space<vmem>>) target_semaphore(%run_scoped3A : memref<!tpu.dma_semaphore, #tpu.memory_space<semaphore_mem>>)
        %dma_wait3A_34 = tpu.memref_slice %arg2[%add3A_10] : memref<65536xi32, #tpu.memory_space<hbm>> -> memref<64xi32, #tpu.memory_space<hbm>>
        %dma_wait3A_35 = tpu.memref_slice %arg2[%add3A_10] : memref<65536xi32, #tpu.memory_space<hbm>> -> memref<64xi32, #tpu.memory_space<hbm>>
        tpu.wait_dma2 semaphore(%run_scoped3A : memref<!tpu.dma_semaphore, #tpu.memory_space<semaphore_mem>>) src(%dma_wait3A_35 : memref<64xi32, #tpu.memory_space<hbm>>) dst(%arg10 : memref<64xi32, #tpu.memory_space<vmem>>)
        tpu.yield
      }) : () -> ()
      "tpu.region"() ({
        %run_scoped3A = tpu.sem_alloc : memref<!tpu.dma_semaphore, #tpu.memory_space<semaphore_mem>>
        %dma_start3A_32 = tpu.memref_slice %arg3[%add3A_10] : memref<65536xi32, #tpu.memory_space<hbm>> -> memref<64xi32, #tpu.memory_space<hbm>>
        %dma_start3A_33 = tpu.memref_slice %arg3[%add3A_10] : memref<65536xi32, #tpu.memory_space<hbm>> -> memref<64xi32, #tpu.memory_space<hbm>>
        tpu.enqueue_dma source(%dma_start3A_33 : memref<64xi32, #tpu.memory_space<hbm>>) target(%arg11 : memref<64xi32, #tpu.memory_space<vmem>>) target_semaphore(%run_scoped3A : memref<!tpu.dma_semaphore, #tpu.memory_space<semaphore_mem>>)
        %dma_wait3A_34 = tpu.memref_slice %arg3[%add3A_10] : memref<65536xi32, #tpu.memory_space<hbm>> -> memref<64xi32, #tpu.memory_space<hbm>>
        %dma_wait3A_35 = tpu.memref_slice %arg3[%add3A_10] : memref<65536xi32, #tpu.memory_space<hbm>> -> memref<64xi32, #tpu.memory_space<hbm>>
        tpu.wait_dma2 semaphore(%run_scoped3A : memref<!tpu.dma_semaphore, #tpu.memory_space<semaphore_mem>>) src(%dma_wait3A_35 : memref<64xi32, #tpu.memory_space<hbm>>) dst(%arg11 : memref<64xi32, #tpu.memory_space<vmem>>)
        tpu.yield
      }) : () -> ()
      "tpu.region"() ({
        %run_scoped3A = tpu.sem_alloc : memref<!tpu.dma_semaphore, #tpu.memory_space<semaphore_mem>>
        %dma_start3A_32 = tpu.memref_slice %arg4[%add3A_10] : memref<65536xi32, #tpu.memory_space<hbm>> -> memref<64xi32, #tpu.memory_space<hbm>>
        %dma_start3A_33 = tpu.memref_slice %arg4[%add3A_10] : memref<65536xi32, #tpu.memory_space<hbm>> -> memref<64xi32, #tpu.memory_space<hbm>>
        tpu.enqueue_dma source(%dma_start3A_33 : memref<64xi32, #tpu.memory_space<hbm>>) target(%arg12 : memref<64xi32, #tpu.memory_space<vmem>>) target_semaphore(%run_scoped3A : memref<!tpu.dma_semaphore, #tpu.memory_space<semaphore_mem>>)
        %dma_wait3A_34 = tpu.memref_slice %arg4[%add3A_10] : memref<65536xi32, #tpu.memory_space<hbm>> -> memref<64xi32, #tpu.memory_space<hbm>>
        %dma_wait3A_35 = tpu.memref_slice %arg4[%add3A_10] : memref<65536xi32, #tpu.memory_space<hbm>> -> memref<64xi32, #tpu.memory_space<hbm>>
        tpu.wait_dma2 semaphore(%run_scoped3A : memref<!tpu.dma_semaphore, #tpu.memory_space<semaphore_mem>>) src(%dma_wait3A_35 : memref<64xi32, #tpu.memory_space<hbm>>) dst(%arg12 : memref<64xi32, #tpu.memory_space<vmem>>)
        tpu.yield
      }) : () -> ()
      "tpu.region"() ({
        %run_scoped3A = tpu.sem_alloc : memref<!tpu.dma_semaphore, #tpu.memory_space<semaphore_mem>>
        %dma_start3A_32 = arith.constant 0 : i32
        %dma_start3A_33 = tpu.memref_slice %arg13[%dma_start3A_32] : memref<80xf32, #tpu.memory_space<vmem>> -> memref<64xf32, #tpu.memory_space<vmem>>
        %dma_start3A_34 = tpu.memref_slice %arg5[%add3A_10] : memref<65536xf32, #tpu.memory_space<hbm>> -> memref<64xf32, #tpu.memory_space<hbm>>
        %dma_start3A_35 = arith.constant 0 : i32
        %dma_start3A_36 = tpu.memref_slice %arg13[%dma_start3A_35] : memref<80xf32, #tpu.memory_space<vmem>> -> memref<64xf32, #tpu.memory_space<vmem>>
        %dma_start3A_37 = tpu.memref_slice %arg5[%add3A_10] : memref<65536xf32, #tpu.memory_space<hbm>> -> memref<64xf32, #tpu.memory_space<hbm>>
        tpu.enqueue_dma source(%dma_start3A_37 : memref<64xf32, #tpu.memory_space<hbm>>) target(%dma_start3A_36 : memref<64xf32, #tpu.memory_space<vmem>>) target_semaphore(%run_scoped3A : memref<!tpu.dma_semaphore, #tpu.memory_space<semaphore_mem>>)
        %dma_wait3A_38 = arith.constant 0 : i32
        %dma_wait3A_39 = tpu.memref_slice %arg13[%dma_wait3A_38] : memref<80xf32, #tpu.memory_space<vmem>> -> memref<64xf32, #tpu.memory_space<vmem>>
        %dma_wait3A_40 = tpu.memref_slice %arg5[%add3A_10] : memref<65536xf32, #tpu.memory_space<hbm>> -> memref<64xf32, #tpu.memory_space<hbm>>
        %dma_wait3A_41 = arith.constant 0 : i32
        %dma_wait3A_42 = tpu.memref_slice %arg13[%dma_wait3A_41] : memref<80xf32, #tpu.memory_space<vmem>> -> memref<64xf32, #tpu.memory_space<vmem>>
        %dma_wait3A_43 = tpu.memref_slice %arg5[%add3A_10] : memref<65536xf32, #tpu.memory_space<hbm>> -> memref<64xf32, #tpu.memory_space<hbm>>
        tpu.wait_dma2 semaphore(%run_scoped3A : memref<!tpu.dma_semaphore, #tpu.memory_space<semaphore_mem>>) src(%dma_wait3A_43 : memref<64xf32, #tpu.memory_space<hbm>>) dst(%dma_wait3A_42 : memref<64xf32, #tpu.memory_space<vmem>>)
        tpu.yield
      }) : () -> ()
      "tpu.region"() ({
        %run_scoped3A = tpu.sem_alloc : memref<!tpu.dma_semaphore, #tpu.memory_space<semaphore_mem>>
        %dma_start3A_32 = arith.constant 0 : i32
        %dma_start3A_33 = tpu.memref_slice %arg14[%dma_start3A_32] : memref<80xf32, #tpu.memory_space<vmem>> -> memref<64xf32, #tpu.memory_space<vmem>>
        %dma_start3A_34 = tpu.memref_slice %arg6[%add3A_10] : memref<65536xf32, #tpu.memory_space<hbm>> -> memref<64xf32, #tpu.memory_space<hbm>>
        %dma_start3A_35 = arith.constant 0 : i32
        %dma_start3A_36 = tpu.memref_slice %arg14[%dma_start3A_35] : memref<80xf32, #tpu.memory_space<vmem>> -> memref<64xf32, #tpu.memory_space<vmem>>
        %dma_start3A_37 = tpu.memref_slice %arg6[%add3A_10] : memref<65536xf32, #tpu.memory_space<hbm>> -> memref<64xf32, #tpu.memory_space<hbm>>
        tpu.enqueue_dma source(%dma_start3A_37 : memref<64xf32, #tpu.memory_space<hbm>>) target(%dma_start3A_36 : memref<64xf32, #tpu.memory_space<vmem>>) target_semaphore(%run_scoped3A : memref<!tpu.dma_semaphore, #tpu.memory_space<semaphore_mem>>)
        %dma_wait3A_38 = arith.constant 0 : i32
        %dma_wait3A_39 = tpu.memref_slice %arg14[%dma_wait3A_38] : memref<80xf32, #tpu.memory_space<vmem>> -> memref<64xf32, #tpu.memory_space<vmem>>
        %dma_wait3A_40 = tpu.memref_slice %arg6[%add3A_10] : memref<65536xf32, #tpu.memory_space<hbm>> -> memref<64xf32, #tpu.memory_space<hbm>>
        %dma_wait3A_41 = arith.constant 0 : i32
        %dma_wait3A_42 = tpu.memref_slice %arg14[%dma_wait3A_41] : memref<80xf32, #tpu.memory_space<vmem>> -> memref<64xf32, #tpu.memory_space<vmem>>
        %dma_wait3A_43 = tpu.memref_slice %arg6[%add3A_10] : memref<65536xf32, #tpu.memory_space<hbm>> -> memref<64xf32, #tpu.memory_space<hbm>>
        tpu.wait_dma2 semaphore(%run_scoped3A : memref<!tpu.dma_semaphore, #tpu.memory_space<semaphore_mem>>) src(%dma_wait3A_43 : memref<64xf32, #tpu.memory_space<hbm>>) dst(%dma_wait3A_42 : memref<64xf32, #tpu.memory_space<vmem>>)
        tpu.yield
      }) : () -> ()
      "tpu.region"() ({
        %run_scoped3A = tpu.sem_alloc : memref<!tpu.dma_semaphore, #tpu.memory_space<semaphore_mem>>
        %dma_start3A_32 = arith.constant 0 : i32
        %dma_start3A_33 = tpu.memref_slice %arg15[%dma_start3A_32] : memref<80xf32, #tpu.memory_space<vmem>> -> memref<64xf32, #tpu.memory_space<vmem>>
        %dma_start3A_34 = tpu.memref_slice %arg7[%add3A_10] : memref<65536xf32, #tpu.memory_space<hbm>> -> memref<64xf32, #tpu.memory_space<hbm>>
        %dma_start3A_35 = arith.constant 0 : i32
        %dma_start3A_36 = tpu.memref_slice %arg15[%dma_start3A_35] : memref<80xf32, #tpu.memory_space<vmem>> -> memref<64xf32, #tpu.memory_space<vmem>>
        %dma_start3A_37 = tpu.memref_slice %arg7[%add3A_10] : memref<65536xf32, #tpu.memory_space<hbm>> -> memref<64xf32, #tpu.memory_space<hbm>>
        tpu.enqueue_dma source(%dma_start3A_37 : memref<64xf32, #tpu.memory_space<hbm>>) target(%dma_start3A_36 : memref<64xf32, #tpu.memory_space<vmem>>) target_semaphore(%run_scoped3A : memref<!tpu.dma_semaphore, #tpu.memory_space<semaphore_mem>>)
        %dma_wait3A_38 = arith.constant 0 : i32
        %dma_wait3A_39 = tpu.memref_slice %arg15[%dma_wait3A_38] : memref<80xf32, #tpu.memory_space<vmem>> -> memref<64xf32, #tpu.memory_space<vmem>>
        %dma_wait3A_40 = tpu.memref_slice %arg7[%add3A_10] : memref<65536xf32, #tpu.memory_space<hbm>> -> memref<64xf32, #tpu.memory_space<hbm>>
        %dma_wait3A_41 = arith.constant 0 : i32
        %dma_wait3A_42 = tpu.memref_slice %arg15[%dma_wait3A_41] : memref<80xf32, #tpu.memory_space<vmem>> -> memref<64xf32, #tpu.memory_space<vmem>>
        %dma_wait3A_43 = tpu.memref_slice %arg7[%add3A_10] : memref<65536xf32, #tpu.memory_space<hbm>> -> memref<64xf32, #tpu.memory_space<hbm>>
        tpu.wait_dma2 semaphore(%run_scoped3A : memref<!tpu.dma_semaphore, #tpu.memory_space<semaphore_mem>>) src(%dma_wait3A_43 : memref<64xf32, #tpu.memory_space<hbm>>) dst(%dma_wait3A_42 : memref<64xf32, #tpu.memory_space<vmem>>)
        tpu.yield
      }) : () -> ()
      %dma_start3A = arith.constant 0 : i32
      %dma_start3A_11 = arith.constant 0 : i32
      %dma_start3A_12 = tpu.memref_slice %arg8[%dma_start3A, %dma_start3A_11] : memref<8192x256xf32, #tpu.memory_space<hbm>> -> memref<8192x256xf32, #tpu.memory_space<hbm>>
      tpu.enqueue_indirect_dma source(%dma_start3A_12 : memref<8192x256xf32, #tpu.memory_space<hbm>>) target(%arg16 : memref<64x256xf32, #tpu.memory_space<vmem>>) offsets(%arg10 : memref<64xi32, #tpu.memory_space<vmem>>) semaphore(%arg20 : memref<!tpu.dma_semaphore, #tpu.memory_space<semaphore_mem>>)
      %dma_start3A_13 = arith.constant 0 : i32
      %dma_start3A_14 = arith.constant 0 : i32
      %dma_start3A_15 = tpu.memref_slice %arg8[%dma_start3A_13, %dma_start3A_14] : memref<8192x256xf32, #tpu.memory_space<hbm>> -> memref<8192x256xf32, #tpu.memory_space<hbm>>
      tpu.enqueue_indirect_dma source(%dma_start3A_15 : memref<8192x256xf32, #tpu.memory_space<hbm>>) target(%arg17 : memref<64x256xf32, #tpu.memory_space<vmem>>) offsets(%arg11 : memref<64xi32, #tpu.memory_space<vmem>>) semaphore(%arg21 : memref<!tpu.dma_semaphore, #tpu.memory_space<semaphore_mem>>)
      %dma_start3A_16 = arith.constant 0 : i32
      %dma_start3A_17 = arith.constant 0 : i32
      %dma_start3A_18 = tpu.memref_slice %arg8[%dma_start3A_16, %dma_start3A_17] : memref<8192x256xf32, #tpu.memory_space<hbm>> -> memref<8192x256xf32, #tpu.memory_space<hbm>>
      tpu.enqueue_indirect_dma source(%dma_start3A_18 : memref<8192x256xf32, #tpu.memory_space<hbm>>) target(%arg18 : memref<64x256xf32, #tpu.memory_space<vmem>>) offsets(%arg12 : memref<64xi32, #tpu.memory_space<vmem>>) semaphore(%arg22 : memref<!tpu.dma_semaphore, #tpu.memory_space<semaphore_mem>>)
      %dma_wait3A = arith.constant 0 : i32
      %dma_wait3A_19 = arith.constant 0 : i32
      %dma_wait3A_20 = tpu.memref_slice %arg8[%dma_wait3A, %dma_wait3A_19] : memref<8192x256xf32, #tpu.memory_space<hbm>> -> memref<8192x256xf32, #tpu.memory_space<hbm>>
      tpu.wait_indirect_dma semaphore(%arg20 : memref<!tpu.dma_semaphore, #tpu.memory_space<semaphore_mem>>) src(%dma_wait3A_20 : memref<8192x256xf32, #tpu.memory_space<hbm>>) dst(%arg16 : memref<64x256xf32, #tpu.memory_space<vmem>>)
      %dma_wait3A_21 = arith.constant 0 : i32
      %dma_wait3A_22 = arith.constant 0 : i32
      %dma_wait3A_23 = tpu.memref_slice %arg8[%dma_wait3A_21, %dma_wait3A_22] : memref<8192x256xf32, #tpu.memory_space<hbm>> -> memref<8192x256xf32, #tpu.memory_space<hbm>>
      tpu.wait_indirect_dma semaphore(%arg21 : memref<!tpu.dma_semaphore, #tpu.memory_space<semaphore_mem>>) src(%dma_wait3A_23 : memref<8192x256xf32, #tpu.memory_space<hbm>>) dst(%arg17 : memref<64x256xf32, #tpu.memory_space<vmem>>)
      %dma_wait3A_24 = arith.constant 0 : i32
      %dma_wait3A_25 = arith.constant 0 : i32
      %dma_wait3A_26 = tpu.memref_slice %arg8[%dma_wait3A_24, %dma_wait3A_25] : memref<8192x256xf32, #tpu.memory_space<hbm>> -> memref<8192x256xf32, #tpu.memory_space<hbm>>
      tpu.wait_indirect_dma semaphore(%arg22 : memref<!tpu.dma_semaphore, #tpu.memory_space<semaphore_mem>>) src(%dma_wait3A_26 : memref<8192x256xf32, #tpu.memory_space<hbm>>) dst(%arg18 : memref<64x256xf32, #tpu.memory_space<vmem>>)
      %scan3A_27 = arith.constant 0 : i32
      %scan3A_28 = arith.constant 64 : i32
      %scan3A_29 = arith.addi %scan3A_27, %scan3A_28 : i32
      %scan3A_30 = arith.constant 1 : i32
      scf.for %scan3A_32 = %scan3A_27 to %scan3A_29 step %scan3A_30  : i32 {
        %get3A = arith.index_cast %scan3A_32 : i32 to index
        %get3A_33 = tpu.vector_load %arg13[%get3A] {strides = array<i32>} : memref<80xf32, #tpu.memory_space<vmem>>, vector<16xf32>,
        %get3A_34 = vector.shape_cast %get3A_33 : vector<16xf32> to vector<16xf32>
        %slice3A = vector.extract_strided_slice %get3A_34 {offsets = [0], sizes = [1], strides = [1]} : vector<16xf32> to vector<1xf32>
        %squeeze3A = vector.extract %slice3A[0] : f32 from vector<1xf32>
        %broadcast_in_dim3A = vector.broadcast %squeeze3A : f32 to vector<16xf32>
        %get3A_35 = arith.index_cast %scan3A_32 : i32 to index
        %get3A_36 = tpu.vector_load %arg14[%get3A_35] {strides = array<i32>} : memref<80xf32, #tpu.memory_space<vmem>>, vector<16xf32>,
        %get3A_37 = vector.shape_cast %get3A_36 : vector<16xf32> to vector<16xf32>
        %slice3A_38 = vector.extract_strided_slice %get3A_37 {offsets = [0], sizes = [1], strides = [1]} : vector<16xf32> to vector<1xf32>
        %squeeze3A_39 = vector.extract %slice3A_38[0] : f32 from vector<1xf32>
        %broadcast_in_dim3A_40 = vector.broadcast %squeeze3A_39 : f32 to vector<16xf32>
        %get3A_41 = arith.index_cast %scan3A_32 : i32 to index
        %get3A_42 = tpu.vector_load %arg15[%get3A_41] {strides = array<i32>} : memref<80xf32, #tpu.memory_space<vmem>>, vector<16xf32>,
        %get3A_43 = vector.shape_cast %get3A_42 : vector<16xf32> to vector<16xf32>
        %slice3A_44 = vector.extract_strided_slice %get3A_43 {offsets = [0], sizes = [1], strides = [1]} : vector<16xf32> to vector<1xf32>
        %squeeze3A_45 = vector.extract %slice3A_44[0] : f32 from vector<1xf32>
        %broadcast_in_dim3A_46 = vector.broadcast %squeeze3A_45 : f32 to vector<16xf32>
        %get3A_47 = arith.index_cast %scan3A_32 : i32 to index
        %get3A_48 = arith.constant 0 : index
        %get3A_49 = tpu.vector_load %arg16[%get3A_47, %get3A_48] {strides = array<i32>} : memref<64x256xf32, #tpu.memory_space<vmem>>, vector<1x16xf32>,
        %get3A_50 = vector.shape_cast %get3A_49 : vector<1x16xf32> to vector<16xf32>
        %mul3A_51 = arith.mulf %broadcast_in_dim3A, %get3A_50 : vector<16xf32>
        %get3A_52 = arith.index_cast %scan3A_32 : i32 to index
        %get3A_53 = arith.constant 0 : index
        %get3A_54 = tpu.vector_load %arg17[%get3A_52, %get3A_53] {strides = array<i32>} : memref<64x256xf32, #tpu.memory_space<vmem>>, vector<1x16xf32>,
        %get3A_55 = vector.shape_cast %get3A_54 : vector<1x16xf32> to vector<16xf32>
        %mul3A_56 = arith.mulf %broadcast_in_dim3A_40, %get3A_55 : vector<16xf32>
        %add3A_57 = arith.addf %mul3A_51, %mul3A_56 : vector<16xf32>
        %get3A_58 = arith.index_cast %scan3A_32 : i32 to index
        %get3A_59 = arith.constant 0 : index
        %get3A_60 = tpu.vector_load %arg18[%get3A_58, %get3A_59] {strides = array<i32>} : memref<64x256xf32, #tpu.memory_space<vmem>>, vector<1x16xf32>,
        %get3A_61 = vector.shape_cast %get3A_60 : vector<1x16xf32> to vector<16xf32>
        %mul3A_62 = arith.mulf %broadcast_in_dim3A_46, %get3A_61 : vector<16xf32>
        %add3A_63 = arith.addf %add3A_57, %mul3A_62 : vector<16xf32>
        %swap3A = arith.index_cast %scan3A_32 : i32 to index
        %swap3A_64 = arith.constant 0 : index
        %swap3A_65 = tpu.vector_load %arg19[%swap3A, %swap3A_64] {strides = array<i32>} : memref<64x256xf32, #tpu.memory_space<vmem>>, vector<1x16xf32>,
        %swap3A_66 = vector.shape_cast %swap3A_65 : vector<1x16xf32> to vector<16xf32>
        %swap3A_67 = vector.shape_cast %add3A_63 : vector<16xf32> to vector<1x16xf32>
        tpu.vector_store %arg19[%swap3A, %swap3A_64], %swap3A_67 {strides = array<i32>} : memref<64x256xf32, #tpu.memory_space<vmem>>, vector<1x16xf32>,
        %get3A_68 = arith.index_cast %scan3A_32 : i32 to index
        %get3A_69 = arith.constant 16 : index
        %get3A_70 = tpu.vector_load %arg16[%get3A_68, %get3A_69] {strides = array<i32>} : memref<64x256xf32, #tpu.memory_space<vmem>>, vector<1x16xf32>,
        %get3A_71 = vector.shape_cast %get3A_70 : vector<1x16xf32> to vector<16xf32>
        %mul3A_72 = arith.mulf %broadcast_in_dim3A, %get3A_71 : vector<16xf32>
        %get3A_73 = arith.index_cast %scan3A_32 : i32 to index
        %get3A_74 = arith.constant 16 : index
        %get3A_75 = tpu.vector_load %arg17[%get3A_73, %get3A_74] {strides = array<i32>} : memref<64x256xf32, #tpu.memory_space<vmem>>, vector<1x16xf32>,
        %get3A_76 = vector.shape_cast %get3A_75 : vector<1x16xf32> to vector<16xf32>
        %mul3A_77 = arith.mulf %broadcast_in_dim3A_40, %get3A_76 : vector<16xf32>
        %add3A_78 = arith.addf %mul3A_72, %mul3A_77 : vector<16xf32>
        %get3A_79 = arith.index_cast %scan3A_32 : i32 to index
        %get3A_80 = arith.constant 16 : index
        %get3A_81 = tpu.vector_load %arg18[%get3A_79, %get3A_80] {strides = array<i32>} : memref<64x256xf32, #tpu.memory_space<vmem>>, vector<1x16xf32>,
        %get3A_82 = vector.shape_cast %get3A_81 : vector<1x16xf32> to vector<16xf32>
        %mul3A_83 = arith.mulf %broadcast_in_dim3A_46, %get3A_82 : vector<16xf32>
        %add3A_84 = arith.addf %add3A_78, %mul3A_83 : vector<16xf32>
        %swap3A_85 = arith.index_cast %scan3A_32 : i32 to index
        %swap3A_86 = arith.constant 16 : index
        %swap3A_87 = tpu.vector_load %arg19[%swap3A_85, %swap3A_86] {strides = array<i32>} : memref<64x256xf32, #tpu.memory_space<vmem>>, vector<1x16xf32>,
        %swap3A_88 = vector.shape_cast %swap3A_87 : vector<1x16xf32> to vector<16xf32>
        %swap3A_89 = vector.shape_cast %add3A_84 : vector<16xf32> to vector<1x16xf32>
        tpu.vector_store %arg19[%swap3A_85, %swap3A_86], %swap3A_89 {strides = array<i32>} : memref<64x256xf32, #tpu.memory_space<vmem>>, vector<1x16xf32>,
        %get3A_90 = arith.index_cast %scan3A_32 : i32 to index
        %get3A_91 = arith.constant 32 : index
        %get3A_92 = tpu.vector_load %arg16[%get3A_90, %get3A_91] {strides = array<i32>} : memref<64x256xf32, #tpu.memory_space<vmem>>, vector<1x16xf32>,
        %get3A_93 = vector.shape_cast %get3A_92 : vector<1x16xf32> to vector<16xf32>
        %mul3A_94 = arith.mulf %broadcast_in_dim3A, %get3A_93 : vector<16xf32>
        %get3A_95 = arith.index_cast %scan3A_32 : i32 to index
        %get3A_96 = arith.constant 32 : index
        %get3A_97 = tpu.vector_load %arg17[%get3A_95, %get3A_96] {strides = array<i32>} : memref<64x256xf32, #tpu.memory_space<vmem>>, vector<1x16xf32>,
        %get3A_98 = vector.shape_cast %get3A_97 : vector<1x16xf32> to vector<16xf32>
        %mul3A_99 = arith.mulf %broadcast_in_dim3A_40, %get3A_98 : vector<16xf32>
        %add3A_100 = arith.addf %mul3A_94, %mul3A_99 : vector<16xf32>
        %get3A_101 = arith.index_cast %scan3A_32 : i32 to index
        %get3A_102 = arith.constant 32 : index
        %get3A_103 = tpu.vector_load %arg18[%get3A_101, %get3A_102] {strides = array<i32>} : memref<64x256xf32, #tpu.memory_space<vmem>>, vector<1x16xf32>,
        %get3A_104 = vector.shape_cast %get3A_103 : vector<1x16xf32> to vector<16xf32>
        %mul3A_105 = arith.mulf %broadcast_in_dim3A_46, %get3A_104 : vector<16xf32>
        %add3A_106 = arith.addf %add3A_100, %mul3A_105 : vector<16xf32>
        %swap3A_107 = arith.index_cast %scan3A_32 : i32 to index
        %swap3A_108 = arith.constant 32 : index
        %swap3A_109 = tpu.vector_load %arg19[%swap3A_107, %swap3A_108] {strides = array<i32>} : memref<64x256xf32, #tpu.memory_space<vmem>>, vector<1x16xf32>,
        %swap3A_110 = vector.shape_cast %swap3A_109 : vector<1x16xf32> to vector<16xf32>
        %swap3A_111 = vector.shape_cast %add3A_106 : vector<16xf32> to vector<1x16xf32>
        tpu.vector_store %arg19[%swap3A_107, %swap3A_108], %swap3A_111 {strides = array<i32>} : memref<64x256xf32, #tpu.memory_space<vmem>>, vector<1x16xf32>,
        %get3A_112 = arith.index_cast %scan3A_32 : i32 to index
        %get3A_113 = arith.constant 48 : index
        %get3A_114 = tpu.vector_load %arg16[%get3A_112, %get3A_113] {strides = array<i32>} : memref<64x256xf32, #tpu.memory_space<vmem>>, vector<1x16xf32>,
        %get3A_115 = vector.shape_cast %get3A_114 : vector<1x16xf32> to vector<16xf32>
        %mul3A_116 = arith.mulf %broadcast_in_dim3A, %get3A_115 : vector<16xf32>
        %get3A_117 = arith.index_cast %scan3A_32 : i32 to index
        %get3A_118 = arith.constant 48 : index
        %get3A_119 = tpu.vector_load %arg17[%get3A_117, %get3A_118] {strides = array<i32>} : memref<64x256xf32, #tpu.memory_space<vmem>>, vector<1x16xf32>,
        %get3A_120 = vector.shape_cast %get3A_119 : vector<1x16xf32> to vector<16xf32>
        %mul3A_121 = arith.mulf %broadcast_in_dim3A_40, %get3A_120 : vector<16xf32>
        %add3A_122 = arith.addf %mul3A_116, %mul3A_121 : vector<16xf32>
        %get3A_123 = arith.index_cast %scan3A_32 : i32 to index
        %get3A_124 = arith.constant 48 : index
        %get3A_125 = tpu.vector_load %arg18[%get3A_123, %get3A_124] {strides = array<i32>} : memref<64x256xf32, #tpu.memory_space<vmem>>, vector<1x16xf32>,
        %get3A_126 = vector.shape_cast %get3A_125 : vector<1x16xf32> to vector<16xf32>
        %mul3A_127 = arith.mulf %broadcast_in_dim3A_46, %get3A_126 : vector<16xf32>
        %add3A_128 = arith.addf %add3A_122, %mul3A_127 : vector<16xf32>
        %swap3A_129 = arith.index_cast %scan3A_32 : i32 to index
        %swap3A_130 = arith.constant 48 : index
        %swap3A_131 = tpu.vector_load %arg19[%swap3A_129, %swap3A_130] {strides = array<i32>} : memref<64x256xf32, #tpu.memory_space<vmem>>, vector<1x16xf32>,
        %swap3A_132 = vector.shape_cast %swap3A_131 : vector<1x16xf32> to vector<16xf32>
        %swap3A_133 = vector.shape_cast %add3A_128 : vector<16xf32> to vector<1x16xf32>
        tpu.vector_store %arg19[%swap3A_129, %swap3A_130], %swap3A_133 {strides = array<i32>} : memref<64x256xf32, #tpu.memory_space<vmem>>, vector<1x16xf32>,
        %get3A_134 = arith.index_cast %scan3A_32 : i32 to index
        %get3A_135 = arith.constant 64 : index
        %get3A_136 = tpu.vector_load %arg16[%get3A_134, %get3A_135] {strides = array<i32>} : memref<64x256xf32, #tpu.memory_space<vmem>>, vector<1x16xf32>,
        %get3A_137 = vector.shape_cast %get3A_136 : vector<1x16xf32> to vector<16xf32>
        %mul3A_138 = arith.mulf %broadcast_in_dim3A, %get3A_137 : vector<16xf32>
        %get3A_139 = arith.index_cast %scan3A_32 : i32 to index
        %get3A_140 = arith.constant 64 : index
        %get3A_141 = tpu.vector_load %arg17[%get3A_139, %get3A_140] {strides = array<i32>} : memref<64x256xf32, #tpu.memory_space<vmem>>, vector<1x16xf32>,
        %get3A_142 = vector.shape_cast %get3A_141 : vector<1x16xf32> to vector<16xf32>
        %mul3A_143 = arith.mulf %broadcast_in_dim3A_40, %get3A_142 : vector<16xf32>
        %add3A_144 = arith.addf %mul3A_138, %mul3A_143 : vector<16xf32>
        %get3A_145 = arith.index_cast %scan3A_32 : i32 to index
        %get3A_146 = arith.constant 64 : index
        %get3A_147 = tpu.vector_load %arg18[%get3A_145, %get3A_146] {strides = array<i32>} : memref<64x256xf32, #tpu.memory_space<vmem>>, vector<1x16xf32>,
        %get3A_148 = vector.shape_cast %get3A_147 : vector<1x16xf32> to vector<16xf32>
        %mul3A_149 = arith.mulf %broadcast_in_dim3A_46, %get3A_148 : vector<16xf32>
        %add3A_150 = arith.addf %add3A_144, %mul3A_149 : vector<16xf32>
        %swap3A_151 = arith.index_cast %scan3A_32 : i32 to index
        %swap3A_152 = arith.constant 64 : index
        %swap3A_153 = tpu.vector_load %arg19[%swap3A_151, %swap3A_152] {strides = array<i32>} : memref<64x256xf32, #tpu.memory_space<vmem>>, vector<1x16xf32>,
        %swap3A_154 = vector.shape_cast %swap3A_153 : vector<1x16xf32> to vector<16xf32>
        %swap3A_155 = vector.shape_cast %add3A_150 : vector<16xf32> to vector<1x16xf32>
        tpu.vector_store %arg19[%swap3A_151, %swap3A_152], %swap3A_155 {strides = array<i32>} : memref<64x256xf32, #tpu.memory_space<vmem>>, vector<1x16xf32>,
        %get3A_156 = arith.index_cast %scan3A_32 : i32 to index
        %get3A_157 = arith.constant 80 : index
        %get3A_158 = tpu.vector_load %arg16[%get3A_156, %get3A_157] {strides = array<i32>} : memref<64x256xf32, #tpu.memory_space<vmem>>, vector<1x16xf32>,
        %get3A_159 = vector.shape_cast %get3A_158 : vector<1x16xf32> to vector<16xf32>
        %mul3A_160 = arith.mulf %broadcast_in_dim3A, %get3A_159 : vector<16xf32>
        %get3A_161 = arith.index_cast %scan3A_32 : i32 to index
        %get3A_162 = arith.constant 80 : index
        %get3A_163 = tpu.vector_load %arg17[%get3A_161, %get3A_162] {strides = array<i32>} : memref<64x256xf32, #tpu.memory_space<vmem>>, vector<1x16xf32>,
        %get3A_164 = vector.shape_cast %get3A_163 : vector<1x16xf32> to vector<16xf32>
        %mul3A_165 = arith.mulf %broadcast_in_dim3A_40, %get3A_164 : vector<16xf32>
        %add3A_166 = arith.addf %mul3A_160, %mul3A_165 : vector<16xf32>
        %get3A_167 = arith.index_cast %scan3A_32 : i32 to index
        %get3A_168 = arith.constant 80 : index
        %get3A_169 = tpu.vector_load %arg18[%get3A_167, %get3A_168] {strides = array<i32>} : memref<64x256xf32, #tpu.memory_space<vmem>>, vector<1x16xf32>,
        %get3A_170 = vector.shape_cast %get3A_169 : vector<1x16xf32> to vector<16xf32>
        %mul3A_171 = arith.mulf %broadcast_in_dim3A_46, %get3A_170 : vector<16xf32>
        %add3A_172 = arith.addf %add3A_166, %mul3A_171 : vector<16xf32>
        %swap3A_173 = arith.index_cast %scan3A_32 : i32 to index
        %swap3A_174 = arith.constant 80 : index
        %swap3A_175 = tpu.vector_load %arg19[%swap3A_173, %swap3A_174] {strides = array<i32>} : memref<64x256xf32, #tpu.memory_space<vmem>>, vector<1x16xf32>,
        %swap3A_176 = vector.shape_cast %swap3A_175 : vector<1x16xf32> to vector<16xf32>
        %swap3A_177 = vector.shape_cast %add3A_172 : vector<16xf32> to vector<1x16xf32>
        tpu.vector_store %arg19[%swap3A_173, %swap3A_174], %swap3A_177 {strides = array<i32>} : memref<64x256xf32, #tpu.memory_space<vmem>>, vector<1x16xf32>,
        %get3A_178 = arith.index_cast %scan3A_32 : i32 to index
        %get3A_179 = arith.constant 96 : index
        %get3A_180 = tpu.vector_load %arg16[%get3A_178, %get3A_179] {strides = array<i32>} : memref<64x256xf32, #tpu.memory_space<vmem>>, vector<1x16xf32>,
        %get3A_181 = vector.shape_cast %get3A_180 : vector<1x16xf32> to vector<16xf32>
        %mul3A_182 = arith.mulf %broadcast_in_dim3A, %get3A_181 : vector<16xf32>
        %get3A_183 = arith.index_cast %scan3A_32 : i32 to index
        %get3A_184 = arith.constant 96 : index
        %get3A_185 = tpu.vector_load %arg17[%get3A_183, %get3A_184] {strides = array<i32>} : memref<64x256xf32, #tpu.memory_space<vmem>>, vector<1x16xf32>,
        %get3A_186 = vector.shape_cast %get3A_185 : vector<1x16xf32> to vector<16xf32>
        %mul3A_187 = arith.mulf %broadcast_in_dim3A_40, %get3A_186 : vector<16xf32>
        %add3A_188 = arith.addf %mul3A_182, %mul3A_187 : vector<16xf32>
        %get3A_189 = arith.index_cast %scan3A_32 : i32 to index
        %get3A_190 = arith.constant 96 : index
        %get3A_191 = tpu.vector_load %arg18[%get3A_189, %get3A_190] {strides = array<i32>} : memref<64x256xf32, #tpu.memory_space<vmem>>, vector<1x16xf32>,
        %get3A_192 = vector.shape_cast %get3A_191 : vector<1x16xf32> to vector<16xf32>
        %mul3A_193 = arith.mulf %broadcast_in_dim3A_46, %get3A_192 : vector<16xf32>
        %add3A_194 = arith.addf %add3A_188, %mul3A_193 : vector<16xf32>
        %swap3A_195 = arith.index_cast %scan3A_32 : i32 to index
        %swap3A_196 = arith.constant 96 : index
        %swap3A_197 = tpu.vector_load %arg19[%swap3A_195, %swap3A_196] {strides = array<i32>} : memref<64x256xf32, #tpu.memory_space<vmem>>, vector<1x16xf32>,
        %swap3A_198 = vector.shape_cast %swap3A_197 : vector<1x16xf32> to vector<16xf32>
        %swap3A_199 = vector.shape_cast %add3A_194 : vector<16xf32> to vector<1x16xf32>
        tpu.vector_store %arg19[%swap3A_195, %swap3A_196], %swap3A_199 {strides = array<i32>} : memref<64x256xf32, #tpu.memory_space<vmem>>, vector<1x16xf32>,
        %get3A_200 = arith.index_cast %scan3A_32 : i32 to index
        %get3A_201 = arith.constant 112 : index
        %get3A_202 = tpu.vector_load %arg16[%get3A_200, %get3A_201] {strides = array<i32>} : memref<64x256xf32, #tpu.memory_space<vmem>>, vector<1x16xf32>,
        %get3A_203 = vector.shape_cast %get3A_202 : vector<1x16xf32> to vector<16xf32>
        %mul3A_204 = arith.mulf %broadcast_in_dim3A, %get3A_203 : vector<16xf32>
        %get3A_205 = arith.index_cast %scan3A_32 : i32 to index
        %get3A_206 = arith.constant 112 : index
        %get3A_207 = tpu.vector_load %arg17[%get3A_205, %get3A_206] {strides = array<i32>} : memref<64x256xf32, #tpu.memory_space<vmem>>, vector<1x16xf32>,
        %get3A_208 = vector.shape_cast %get3A_207 : vector<1x16xf32> to vector<16xf32>
        %mul3A_209 = arith.mulf %broadcast_in_dim3A_40, %get3A_208 : vector<16xf32>
        %add3A_210 = arith.addf %mul3A_204, %mul3A_209 : vector<16xf32>
        %get3A_211 = arith.index_cast %scan3A_32 : i32 to index
        %get3A_212 = arith.constant 112 : index
        %get3A_213 = tpu.vector_load %arg18[%get3A_211, %get3A_212] {strides = array<i32>} : memref<64x256xf32, #tpu.memory_space<vmem>>, vector<1x16xf32>,
        %get3A_214 = vector.shape_cast %get3A_213 : vector<1x16xf32> to vector<16xf32>
        %mul3A_215 = arith.mulf %broadcast_in_dim3A_46, %get3A_214 : vector<16xf32>
        %add3A_216 = arith.addf %add3A_210, %mul3A_215 : vector<16xf32>
        %swap3A_217 = arith.index_cast %scan3A_32 : i32 to index
        %swap3A_218 = arith.constant 112 : index
        %swap3A_219 = tpu.vector_load %arg19[%swap3A_217, %swap3A_218] {strides = array<i32>} : memref<64x256xf32, #tpu.memory_space<vmem>>, vector<1x16xf32>,
        %swap3A_220 = vector.shape_cast %swap3A_219 : vector<1x16xf32> to vector<16xf32>
        %swap3A_221 = vector.shape_cast %add3A_216 : vector<16xf32> to vector<1x16xf32>
        tpu.vector_store %arg19[%swap3A_217, %swap3A_218], %swap3A_221 {strides = array<i32>} : memref<64x256xf32, #tpu.memory_space<vmem>>, vector<1x16xf32>,
        %get3A_222 = arith.index_cast %scan3A_32 : i32 to index
        %get3A_223 = arith.constant 128 : index
        %get3A_224 = tpu.vector_load %arg16[%get3A_222, %get3A_223] {strides = array<i32>} : memref<64x256xf32, #tpu.memory_space<vmem>>, vector<1x16xf32>,
        %get3A_225 = vector.shape_cast %get3A_224 : vector<1x16xf32> to vector<16xf32>
        %mul3A_226 = arith.mulf %broadcast_in_dim3A, %get3A_225 : vector<16xf32>
        %get3A_227 = arith.index_cast %scan3A_32 : i32 to index
        %get3A_228 = arith.constant 128 : index
        %get3A_229 = tpu.vector_load %arg17[%get3A_227, %get3A_228] {strides = array<i32>} : memref<64x256xf32, #tpu.memory_space<vmem>>, vector<1x16xf32>,
        %get3A_230 = vector.shape_cast %get3A_229 : vector<1x16xf32> to vector<16xf32>
        %mul3A_231 = arith.mulf %broadcast_in_dim3A_40, %get3A_230 : vector<16xf32>
        %add3A_232 = arith.addf %mul3A_226, %mul3A_231 : vector<16xf32>
        %get3A_233 = arith.index_cast %scan3A_32 : i32 to index
        %get3A_234 = arith.constant 128 : index
        %get3A_235 = tpu.vector_load %arg18[%get3A_233, %get3A_234] {strides = array<i32>} : memref<64x256xf32, #tpu.memory_space<vmem>>, vector<1x16xf32>,
        %get3A_236 = vector.shape_cast %get3A_235 : vector<1x16xf32> to vector<16xf32>
        %mul3A_237 = arith.mulf %broadcast_in_dim3A_46, %get3A_236 : vector<16xf32>
        %add3A_238 = arith.addf %add3A_232, %mul3A_237 : vector<16xf32>
        %swap3A_239 = arith.index_cast %scan3A_32 : i32 to index
        %swap3A_240 = arith.constant 128 : index
        %swap3A_241 = tpu.vector_load %arg19[%swap3A_239, %swap3A_240] {strides = array<i32>} : memref<64x256xf32, #tpu.memory_space<vmem>>, vector<1x16xf32>,
        %swap3A_242 = vector.shape_cast %swap3A_241 : vector<1x16xf32> to vector<16xf32>
        %swap3A_243 = vector.shape_cast %add3A_238 : vector<16xf32> to vector<1x16xf32>
        tpu.vector_store %arg19[%swap3A_239, %swap3A_240], %swap3A_243 {strides = array<i32>} : memref<64x256xf32, #tpu.memory_space<vmem>>, vector<1x16xf32>,
        %get3A_244 = arith.index_cast %scan3A_32 : i32 to index
        %get3A_245 = arith.constant 144 : index
        %get3A_246 = tpu.vector_load %arg16[%get3A_244, %get3A_245] {strides = array<i32>} : memref<64x256xf32, #tpu.memory_space<vmem>>, vector<1x16xf32>,
        %get3A_247 = vector.shape_cast %get3A_246 : vector<1x16xf32> to vector<16xf32>
        %mul3A_248 = arith.mulf %broadcast_in_dim3A, %get3A_247 : vector<16xf32>
        %get3A_249 = arith.index_cast %scan3A_32 : i32 to index
        %get3A_250 = arith.constant 144 : index
        %get3A_251 = tpu.vector_load %arg17[%get3A_249, %get3A_250] {strides = array<i32>} : memref<64x256xf32, #tpu.memory_space<vmem>>, vector<1x16xf32>,
        %get3A_252 = vector.shape_cast %get3A_251 : vector<1x16xf32> to vector<16xf32>
        %mul3A_253 = arith.mulf %broadcast_in_dim3A_40, %get3A_252 : vector<16xf32>
        %add3A_254 = arith.addf %mul3A_248, %mul3A_253 : vector<16xf32>
        %get3A_255 = arith.index_cast %scan3A_32 : i32 to index
        %get3A_256 = arith.constant 144 : index
        %get3A_257 = tpu.vector_load %arg18[%get3A_255, %get3A_256] {strides = array<i32>} : memref<64x256xf32, #tpu.memory_space<vmem>>, vector<1x16xf32>,
        %get3A_258 = vector.shape_cast %get3A_257 : vector<1x16xf32> to vector<16xf32>
        %mul3A_259 = arith.mulf %broadcast_in_dim3A_46, %get3A_258 : vector<16xf32>
        %add3A_260 = arith.addf %add3A_254, %mul3A_259 : vector<16xf32>
        %swap3A_261 = arith.index_cast %scan3A_32 : i32 to index
        %swap3A_262 = arith.constant 144 : index
        %swap3A_263 = tpu.vector_load %arg19[%swap3A_261, %swap3A_262] {strides = array<i32>} : memref<64x256xf32, #tpu.memory_space<vmem>>, vector<1x16xf32>,
        %swap3A_264 = vector.shape_cast %swap3A_263 : vector<1x16xf32> to vector<16xf32>
        %swap3A_265 = vector.shape_cast %add3A_260 : vector<16xf32> to vector<1x16xf32>
        tpu.vector_store %arg19[%swap3A_261, %swap3A_262], %swap3A_265 {strides = array<i32>} : memref<64x256xf32, #tpu.memory_space<vmem>>, vector<1x16xf32>,
        %get3A_266 = arith.index_cast %scan3A_32 : i32 to index
        %get3A_267 = arith.constant 160 : index
        %get3A_268 = tpu.vector_load %arg16[%get3A_266, %get3A_267] {strides = array<i32>} : memref<64x256xf32, #tpu.memory_space<vmem>>, vector<1x16xf32>,
        %get3A_269 = vector.shape_cast %get3A_268 : vector<1x16xf32> to vector<16xf32>
        %mul3A_270 = arith.mulf %broadcast_in_dim3A, %get3A_269 : vector<16xf32>
        %get3A_271 = arith.index_cast %scan3A_32 : i32 to index
        %get3A_272 = arith.constant 160 : index
        %get3A_273 = tpu.vector_load %arg17[%get3A_271, %get3A_272] {strides = array<i32>} : memref<64x256xf32, #tpu.memory_space<vmem>>, vector<1x16xf32>,
        %get3A_274 = vector.shape_cast %get3A_273 : vector<1x16xf32> to vector<16xf32>
        %mul3A_275 = arith.mulf %broadcast_in_dim3A_40, %get3A_274 : vector<16xf32>
        %add3A_276 = arith.addf %mul3A_270, %mul3A_275 : vector<16xf32>
        %get3A_277 = arith.index_cast %scan3A_32 : i32 to index
        %get3A_278 = arith.constant 160 : index
        %get3A_279 = tpu.vector_load %arg18[%get3A_277, %get3A_278] {strides = array<i32>} : memref<64x256xf32, #tpu.memory_space<vmem>>, vector<1x16xf32>,
        %get3A_280 = vector.shape_cast %get3A_279 : vector<1x16xf32> to vector<16xf32>
        %mul3A_281 = arith.mulf %broadcast_in_dim3A_46, %get3A_280 : vector<16xf32>
        %add3A_282 = arith.addf %add3A_276, %mul3A_281 : vector<16xf32>
        %swap3A_283 = arith.index_cast %scan3A_32 : i32 to index
        %swap3A_284 = arith.constant 160 : index
        %swap3A_285 = tpu.vector_load %arg19[%swap3A_283, %swap3A_284] {strides = array<i32>} : memref<64x256xf32, #tpu.memory_space<vmem>>, vector<1x16xf32>,
        %swap3A_286 = vector.shape_cast %swap3A_285 : vector<1x16xf32> to vector<16xf32>
        %swap3A_287 = vector.shape_cast %add3A_282 : vector<16xf32> to vector<1x16xf32>
        tpu.vector_store %arg19[%swap3A_283, %swap3A_284], %swap3A_287 {strides = array<i32>} : memref<64x256xf32, #tpu.memory_space<vmem>>, vector<1x16xf32>,
        %get3A_288 = arith.index_cast %scan3A_32 : i32 to index
        %get3A_289 = arith.constant 176 : index
        %get3A_290 = tpu.vector_load %arg16[%get3A_288, %get3A_289] {strides = array<i32>} : memref<64x256xf32, #tpu.memory_space<vmem>>, vector<1x16xf32>,
        %get3A_291 = vector.shape_cast %get3A_290 : vector<1x16xf32> to vector<16xf32>
        %mul3A_292 = arith.mulf %broadcast_in_dim3A, %get3A_291 : vector<16xf32>
        %get3A_293 = arith.index_cast %scan3A_32 : i32 to index
        %get3A_294 = arith.constant 176 : index
        %get3A_295 = tpu.vector_load %arg17[%get3A_293, %get3A_294] {strides = array<i32>} : memref<64x256xf32, #tpu.memory_space<vmem>>, vector<1x16xf32>,
        %get3A_296 = vector.shape_cast %get3A_295 : vector<1x16xf32> to vector<16xf32>
        %mul3A_297 = arith.mulf %broadcast_in_dim3A_40, %get3A_296 : vector<16xf32>
        %add3A_298 = arith.addf %mul3A_292, %mul3A_297 : vector<16xf32>
        %get3A_299 = arith.index_cast %scan3A_32 : i32 to index
        %get3A_300 = arith.constant 176 : index
        %get3A_301 = tpu.vector_load %arg18[%get3A_299, %get3A_300] {strides = array<i32>} : memref<64x256xf32, #tpu.memory_space<vmem>>, vector<1x16xf32>,
        %get3A_302 = vector.shape_cast %get3A_301 : vector<1x16xf32> to vector<16xf32>
        %mul3A_303 = arith.mulf %broadcast_in_dim3A_46, %get3A_302 : vector<16xf32>
        %add3A_304 = arith.addf %add3A_298, %mul3A_303 : vector<16xf32>
        %swap3A_305 = arith.index_cast %scan3A_32 : i32 to index
        %swap3A_306 = arith.constant 176 : index
        %swap3A_307 = tpu.vector_load %arg19[%swap3A_305, %swap3A_306] {strides = array<i32>} : memref<64x256xf32, #tpu.memory_space<vmem>>, vector<1x16xf32>,
        %swap3A_308 = vector.shape_cast %swap3A_307 : vector<1x16xf32> to vector<16xf32>
        %swap3A_309 = vector.shape_cast %add3A_304 : vector<16xf32> to vector<1x16xf32>
        tpu.vector_store %arg19[%swap3A_305, %swap3A_306], %swap3A_309 {strides = array<i32>} : memref<64x256xf32, #tpu.memory_space<vmem>>, vector<1x16xf32>,
        %get3A_310 = arith.index_cast %scan3A_32 : i32 to index
        %get3A_311 = arith.constant 192 : index
        %get3A_312 = tpu.vector_load %arg16[%get3A_310, %get3A_311] {strides = array<i32>} : memref<64x256xf32, #tpu.memory_space<vmem>>, vector<1x16xf32>,
        %get3A_313 = vector.shape_cast %get3A_312 : vector<1x16xf32> to vector<16xf32>
        %mul3A_314 = arith.mulf %broadcast_in_dim3A, %get3A_313 : vector<16xf32>
        %get3A_315 = arith.index_cast %scan3A_32 : i32 to index
        %get3A_316 = arith.constant 192 : index
        %get3A_317 = tpu.vector_load %arg17[%get3A_315, %get3A_316] {strides = array<i32>} : memref<64x256xf32, #tpu.memory_space<vmem>>, vector<1x16xf32>,
        %get3A_318 = vector.shape_cast %get3A_317 : vector<1x16xf32> to vector<16xf32>
        %mul3A_319 = arith.mulf %broadcast_in_dim3A_40, %get3A_318 : vector<16xf32>
        %add3A_320 = arith.addf %mul3A_314, %mul3A_319 : vector<16xf32>
        %get3A_321 = arith.index_cast %scan3A_32 : i32 to index
        %get3A_322 = arith.constant 192 : index
        %get3A_323 = tpu.vector_load %arg18[%get3A_321, %get3A_322] {strides = array<i32>} : memref<64x256xf32, #tpu.memory_space<vmem>>, vector<1x16xf32>,
        %get3A_324 = vector.shape_cast %get3A_323 : vector<1x16xf32> to vector<16xf32>
        %mul3A_325 = arith.mulf %broadcast_in_dim3A_46, %get3A_324 : vector<16xf32>
        %add3A_326 = arith.addf %add3A_320, %mul3A_325 : vector<16xf32>
        %swap3A_327 = arith.index_cast %scan3A_32 : i32 to index
        %swap3A_328 = arith.constant 192 : index
        %swap3A_329 = tpu.vector_load %arg19[%swap3A_327, %swap3A_328] {strides = array<i32>} : memref<64x256xf32, #tpu.memory_space<vmem>>, vector<1x16xf32>,
        %swap3A_330 = vector.shape_cast %swap3A_329 : vector<1x16xf32> to vector<16xf32>
        %swap3A_331 = vector.shape_cast %add3A_326 : vector<16xf32> to vector<1x16xf32>
        tpu.vector_store %arg19[%swap3A_327, %swap3A_328], %swap3A_331 {strides = array<i32>} : memref<64x256xf32, #tpu.memory_space<vmem>>, vector<1x16xf32>,
        %get3A_332 = arith.index_cast %scan3A_32 : i32 to index
        %get3A_333 = arith.constant 208 : index
        %get3A_334 = tpu.vector_load %arg16[%get3A_332, %get3A_333] {strides = array<i32>} : memref<64x256xf32, #tpu.memory_space<vmem>>, vector<1x16xf32>,
        %get3A_335 = vector.shape_cast %get3A_334 : vector<1x16xf32> to vector<16xf32>
        %mul3A_336 = arith.mulf %broadcast_in_dim3A, %get3A_335 : vector<16xf32>
        %get3A_337 = arith.index_cast %scan3A_32 : i32 to index
        %get3A_338 = arith.constant 208 : index
        %get3A_339 = tpu.vector_load %arg17[%get3A_337, %get3A_338] {strides = array<i32>} : memref<64x256xf32, #tpu.memory_space<vmem>>, vector<1x16xf32>,
        %get3A_340 = vector.shape_cast %get3A_339 : vector<1x16xf32> to vector<16xf32>
        %mul3A_341 = arith.mulf %broadcast_in_dim3A_40, %get3A_340 : vector<16xf32>
        %add3A_342 = arith.addf %mul3A_336, %mul3A_341 : vector<16xf32>
        %get3A_343 = arith.index_cast %scan3A_32 : i32 to index
        %get3A_344 = arith.constant 208 : index
        %get3A_345 = tpu.vector_load %arg18[%get3A_343, %get3A_344] {strides = array<i32>} : memref<64x256xf32, #tpu.memory_space<vmem>>, vector<1x16xf32>,
        %get3A_346 = vector.shape_cast %get3A_345 : vector<1x16xf32> to vector<16xf32>
        %mul3A_347 = arith.mulf %broadcast_in_dim3A_46, %get3A_346 : vector<16xf32>
        %add3A_348 = arith.addf %add3A_342, %mul3A_347 : vector<16xf32>
        %swap3A_349 = arith.index_cast %scan3A_32 : i32 to index
        %swap3A_350 = arith.constant 208 : index
        %swap3A_351 = tpu.vector_load %arg19[%swap3A_349, %swap3A_350] {strides = array<i32>} : memref<64x256xf32, #tpu.memory_space<vmem>>, vector<1x16xf32>,
        %swap3A_352 = vector.shape_cast %swap3A_351 : vector<1x16xf32> to vector<16xf32>
        %swap3A_353 = vector.shape_cast %add3A_348 : vector<16xf32> to vector<1x16xf32>
        tpu.vector_store %arg19[%swap3A_349, %swap3A_350], %swap3A_353 {strides = array<i32>} : memref<64x256xf32, #tpu.memory_space<vmem>>, vector<1x16xf32>,
        %get3A_354 = arith.index_cast %scan3A_32 : i32 to index
        %get3A_355 = arith.constant 224 : index
        %get3A_356 = tpu.vector_load %arg16[%get3A_354, %get3A_355] {strides = array<i32>} : memref<64x256xf32, #tpu.memory_space<vmem>>, vector<1x16xf32>,
        %get3A_357 = vector.shape_cast %get3A_356 : vector<1x16xf32> to vector<16xf32>
        %mul3A_358 = arith.mulf %broadcast_in_dim3A, %get3A_357 : vector<16xf32>
        %get3A_359 = arith.index_cast %scan3A_32 : i32 to index
        %get3A_360 = arith.constant 224 : index
        %get3A_361 = tpu.vector_load %arg17[%get3A_359, %get3A_360] {strides = array<i32>} : memref<64x256xf32, #tpu.memory_space<vmem>>, vector<1x16xf32>,
        %get3A_362 = vector.shape_cast %get3A_361 : vector<1x16xf32> to vector<16xf32>
        %mul3A_363 = arith.mulf %broadcast_in_dim3A_40, %get3A_362 : vector<16xf32>
        %add3A_364 = arith.addf %mul3A_358, %mul3A_363 : vector<16xf32>
        %get3A_365 = arith.index_cast %scan3A_32 : i32 to index
        %get3A_366 = arith.constant 224 : index
        %get3A_367 = tpu.vector_load %arg18[%get3A_365, %get3A_366] {strides = array<i32>} : memref<64x256xf32, #tpu.memory_space<vmem>>, vector<1x16xf32>,
        %get3A_368 = vector.shape_cast %get3A_367 : vector<1x16xf32> to vector<16xf32>
        %mul3A_369 = arith.mulf %broadcast_in_dim3A_46, %get3A_368 : vector<16xf32>
        %add3A_370 = arith.addf %add3A_364, %mul3A_369 : vector<16xf32>
        %swap3A_371 = arith.index_cast %scan3A_32 : i32 to index
        %swap3A_372 = arith.constant 224 : index
        %swap3A_373 = tpu.vector_load %arg19[%swap3A_371, %swap3A_372] {strides = array<i32>} : memref<64x256xf32, #tpu.memory_space<vmem>>, vector<1x16xf32>,
        %swap3A_374 = vector.shape_cast %swap3A_373 : vector<1x16xf32> to vector<16xf32>
        %swap3A_375 = vector.shape_cast %add3A_370 : vector<16xf32> to vector<1x16xf32>
        tpu.vector_store %arg19[%swap3A_371, %swap3A_372], %swap3A_375 {strides = array<i32>} : memref<64x256xf32, #tpu.memory_space<vmem>>, vector<1x16xf32>,
        %get3A_376 = arith.index_cast %scan3A_32 : i32 to index
        %get3A_377 = arith.constant 240 : index
        %get3A_378 = tpu.vector_load %arg16[%get3A_376, %get3A_377] {strides = array<i32>} : memref<64x256xf32, #tpu.memory_space<vmem>>, vector<1x16xf32>,
        %get3A_379 = vector.shape_cast %get3A_378 : vector<1x16xf32> to vector<16xf32>
        %mul3A_380 = arith.mulf %broadcast_in_dim3A, %get3A_379 : vector<16xf32>
        %get3A_381 = arith.index_cast %scan3A_32 : i32 to index
        %get3A_382 = arith.constant 240 : index
        %get3A_383 = tpu.vector_load %arg17[%get3A_381, %get3A_382] {strides = array<i32>} : memref<64x256xf32, #tpu.memory_space<vmem>>, vector<1x16xf32>,
        %get3A_384 = vector.shape_cast %get3A_383 : vector<1x16xf32> to vector<16xf32>
        %mul3A_385 = arith.mulf %broadcast_in_dim3A_40, %get3A_384 : vector<16xf32>
        %add3A_386 = arith.addf %mul3A_380, %mul3A_385 : vector<16xf32>
        %get3A_387 = arith.index_cast %scan3A_32 : i32 to index
        %get3A_388 = arith.constant 240 : index
        %get3A_389 = tpu.vector_load %arg18[%get3A_387, %get3A_388] {strides = array<i32>} : memref<64x256xf32, #tpu.memory_space<vmem>>, vector<1x16xf32>,
        %get3A_390 = vector.shape_cast %get3A_389 : vector<1x16xf32> to vector<16xf32>
        %mul3A_391 = arith.mulf %broadcast_in_dim3A_46, %get3A_390 : vector<16xf32>
        %add3A_392 = arith.addf %add3A_386, %mul3A_391 : vector<16xf32>
        %swap3A_393 = arith.index_cast %scan3A_32 : i32 to index
        %swap3A_394 = arith.constant 240 : index
        %swap3A_395 = tpu.vector_load %arg19[%swap3A_393, %swap3A_394] {strides = array<i32>} : memref<64x256xf32, #tpu.memory_space<vmem>>, vector<1x16xf32>,
        %swap3A_396 = vector.shape_cast %swap3A_395 : vector<1x16xf32> to vector<16xf32>
        %swap3A_397 = vector.shape_cast %add3A_392 : vector<16xf32> to vector<1x16xf32>
        tpu.vector_store %arg19[%swap3A_393, %swap3A_394], %swap3A_397 {strides = array<i32>} : memref<64x256xf32, #tpu.memory_space<vmem>>, vector<1x16xf32>,
      }
      %scan3A_31 = arith.constant 64 : i32
      "tpu.region"() ({
        %run_scoped3A = tpu.sem_alloc : memref<!tpu.dma_semaphore, #tpu.memory_space<semaphore_mem>>
        %dma_start3A_32 = arith.constant 0 : i32
        %dma_start3A_33 = tpu.memref_slice %arg9[%add3A_10, %dma_start3A_32] : memref<65536x256xf32, #tpu.memory_space<hbm>> -> memref<64x256xf32, #tpu.memory_space<hbm>>
        %dma_start3A_34 = arith.constant 0 : i32
        %dma_start3A_35 = tpu.memref_slice %arg9[%add3A_10, %dma_start3A_34] : memref<65536x256xf32, #tpu.memory_space<hbm>> -> memref<64x256xf32, #tpu.memory_space<hbm>>
        tpu.enqueue_dma source(%arg19 : memref<64x256xf32, #tpu.memory_space<vmem>>) target(%dma_start3A_35 : memref<64x256xf32, #tpu.memory_space<hbm>>) target_semaphore(%run_scoped3A : memref<!tpu.dma_semaphore, #tpu.memory_space<semaphore_mem>>)
        %dma_wait3A_36 = arith.constant 0 : i32
        %dma_wait3A_37 = tpu.memref_slice %arg9[%add3A_10, %dma_wait3A_36] : memref<65536x256xf32, #tpu.memory_space<hbm>> -> memref<64x256xf32, #tpu.memory_space<hbm>>
        %dma_wait3A_38 = arith.constant 0 : i32
        %dma_wait3A_39 = tpu.memref_slice %arg9[%add3A_10, %dma_wait3A_38] : memref<65536x256xf32, #tpu.memory_space<hbm>> -> memref<64x256xf32, #tpu.memory_space<hbm>>
        tpu.wait_dma2 semaphore(%run_scoped3A : memref<!tpu.dma_semaphore, #tpu.memory_space<semaphore_mem>>) src(%arg19 : memref<64x256xf32, #tpu.memory_space<vmem>>) dst(%dma_wait3A_39 : memref<64x256xf32, #tpu.memory_space<hbm>>)
        tpu.yield
      }) : () -> ()
    }
    %scan3A_6 = arith.constant 32 : i32
    return
  }
}

module attributes {stable_mosaic.version = 14 : i64} {
  func.func @_knn_body(%arg0: i32, %arg1: memref<256x3xf32, #tpu.memory_space<vmem>>, %arg2: memref<3x8192xf32, #tpu.memory_space<vmem>>, %arg3: memref<1x8192xf32, #tpu.memory_space<vmem>>, %arg4: memref<256x1xi32, #tpu.memory_space<vmem>>, %arg5: memref<256x1xi32, #tpu.memory_space<vmem>>, %arg6: memref<256x1xi32, #tpu.memory_space<vmem>>, %arg7: memref<256x1xf32, #tpu.memory_space<vmem>>, %arg8: memref<256x1xf32, #tpu.memory_space<vmem>>, %arg9: memref<256x1xf32, #tpu.memory_space<vmem>>) attributes {dimension_semantics = [#tpu.dimension_semantics<arbitrary>], iteration_bounds = array<i64: 256>, scalar_prefetch = 0 : i64, scratch_operands = 0 : i64, tpu.core_type = #tpu.core_type<tc>, window_params = [{transform_indices = @transform_0, window_bounds = array<i64: 256, 3>}, {pipeline_mode = #tpu.pipeline_mode<synchronous>, transform_indices = @transform_1, window_bounds = array<i64: 3, 8192>}, {pipeline_mode = #tpu.pipeline_mode<synchronous>, transform_indices = @transform_2, window_bounds = array<i64: 1, 8192>}, {transform_indices = @transform_3, window_bounds = array<i64: 256, 1>}, {transform_indices = @transform_4, window_bounds = array<i64: 256, 1>}, {transform_indices = @transform_5, window_bounds = array<i64: 256, 1>}, {transform_indices = @transform_6, window_bounds = array<i64: 256, 1>}, {transform_indices = @transform_7, window_bounds = array<i64: 256, 1>}, {transform_indices = @transform_8, window_bounds = array<i64: 256, 1>}]} {
    %get3A = arith.constant 0 : index
    %get3A_0 = arith.constant 0 : index
    %get3A_1 = vector.load %arg1[%get3A, %get3A_0] : memref<256x3xf32, #tpu.memory_space<vmem>>, vector<256x3xf32>
    %mul3A = arith.mulf %get3A_1, %get3A_1 : vector<256x3xf32>
    %reduce_sum3A = arith.constant dense<0.000000e+00> : vector<256xf32>
    %reduce_sum3A_2 = vector.multi_reduction <add>, %mul3A, %reduce_sum3A [1] : vector<256x3xf32> to vector<256xf32>
    %broadcast_in_dim3A = vector.shape_cast %reduce_sum3A_2 : vector<256xf32> to vector<256x1xf32>
    %get3A_3 = arith.constant 0 : index
    %get3A_4 = arith.constant 0 : index
    %get3A_5 = vector.load %arg2[%get3A_3, %get3A_4] : memref<3x8192xf32, #tpu.memory_space<vmem>>, vector<3x8192xf32>
    %dot_general3A = arith.constant dense<0.000000e+00> : vector<256x8192xf32>
    %dot_general3A_6 = tpu.matmul %get3A_1, %get3A_5, %dot_general3A {dimension_numbers = #tpu.dot_dimension_numbers<[1], [0], [0], [1], [0, 0, 1, 1], [], []>, precision = #tpu.contract_precision<fp32>, transpose_lhs_hint = false} : vector<256x3xf32>, vector<3x8192xf32>, vector<256x8192xf32> -> vector<256x8192xf32>
    %get3A_7 = arith.constant 0 : index
    %get3A_8 = arith.constant 0 : index
    %get3A_9 = vector.load %arg3[%get3A_7, %get3A_8] : memref<1x8192xf32, #tpu.memory_space<vmem>>, vector<1x8192xf32>
    %add3A = vector.broadcast %get3A_9 : vector<1x8192xf32> to vector<256x8192xf32>
    %add3A_10 = arith.addf %dot_general3A_6, %add3A : vector<256x8192xf32>
    %iota3A = tpu.iota {dimensions = array<i32: 1>} : vector<256x8192xi32>
    %convert_element_type3A = arith.sitofp %iota3A : vector<256x8192xi32> to vector<256x8192xf32>
    %reduce_min3A = arith.constant dense<0x7F800000> : vector<256xf32>
    %reduce_min3A_11 = vector.multi_reduction <minimumf>, %add3A_10, %reduce_min3A [1] : vector<256x8192xf32> to vector<256xf32>
    %broadcast_in_dim3A_12 = vector.shape_cast %reduce_min3A_11 : vector<256xf32> to vector<256x1xf32>
    %eq3A = vector.broadcast %broadcast_in_dim3A_12 : vector<256x1xf32> to vector<256x8192xf32>
    %eq3A_13 = arith.cmpf oeq, %add3A_10, %eq3A : vector<256x8192xf32>
    %jit3A = arith.constant 3.000000e+38 : f32
    %broadcast_in_dim3A_14 = vector.broadcast %jit3A : f32 to vector<256x8192xf32>
    %select_n3A = arith.select %eq3A_13, %convert_element_type3A, %broadcast_in_dim3A_14 : vector<256x8192xi1>, vector<256x8192xf32>
    %reduce_min3A_15 = arith.constant dense<0x7F800000> : vector<256xf32>
    %reduce_min3A_16 = vector.multi_reduction <minimumf>, %select_n3A, %reduce_min3A_15 [1] : vector<256x8192xf32> to vector<256xf32>
    %broadcast_in_dim3A_17 = vector.shape_cast %reduce_min3A_16 : vector<256xf32> to vector<256x1xf32>
    %eq3A_18 = vector.broadcast %broadcast_in_dim3A_17 : vector<256x1xf32> to vector<256x8192xf32>
    %eq3A_19 = arith.cmpf oeq, %convert_element_type3A, %eq3A_18 : vector<256x8192xf32>
    %jit3A_20 = arith.constant 3.000000e+38 : f32
    %broadcast_in_dim3A_21 = vector.broadcast %jit3A_20 : f32 to vector<256x8192xf32>
    %select_n3A_22 = arith.select %eq3A_19, %broadcast_in_dim3A_21, %add3A_10 : vector<256x8192xi1>, vector<256x8192xf32>
    %reduce_min3A_23 = arith.constant dense<0x7F800000> : vector<256xf32>
    %reduce_min3A_24 = vector.multi_reduction <minimumf>, %select_n3A_22, %reduce_min3A_23 [1] : vector<256x8192xf32> to vector<256xf32>
    %broadcast_in_dim3A_25 = vector.shape_cast %reduce_min3A_24 : vector<256xf32> to vector<256x1xf32>
    %eq3A_26 = vector.broadcast %broadcast_in_dim3A_25 : vector<256x1xf32> to vector<256x8192xf32>
    %eq3A_27 = arith.cmpf oeq, %select_n3A_22, %eq3A_26 : vector<256x8192xf32>
    %jit3A_28 = arith.constant 3.000000e+38 : f32
    %broadcast_in_dim3A_29 = vector.broadcast %jit3A_28 : f32 to vector<256x8192xf32>
    %select_n3A_30 = arith.select %eq3A_27, %convert_element_type3A, %broadcast_in_dim3A_29 : vector<256x8192xi1>, vector<256x8192xf32>
    %reduce_min3A_31 = arith.constant dense<0x7F800000> : vector<256xf32>
    %reduce_min3A_32 = vector.multi_reduction <minimumf>, %select_n3A_30, %reduce_min3A_31 [1] : vector<256x8192xf32> to vector<256xf32>
    %broadcast_in_dim3A_33 = vector.shape_cast %reduce_min3A_32 : vector<256xf32> to vector<256x1xf32>
    %eq3A_34 = vector.broadcast %broadcast_in_dim3A_33 : vector<256x1xf32> to vector<256x8192xf32>
    %eq3A_35 = arith.cmpf oeq, %convert_element_type3A, %eq3A_34 : vector<256x8192xf32>
    %jit3A_36 = arith.constant 3.000000e+38 : f32
    %broadcast_in_dim3A_37 = vector.broadcast %jit3A_36 : f32 to vector<256x8192xf32>
    %select_n3A_38 = arith.select %eq3A_35, %broadcast_in_dim3A_37, %select_n3A_22 : vector<256x8192xi1>, vector<256x8192xf32>
    %reduce_min3A_39 = arith.constant dense<0x7F800000> : vector<256xf32>
    %reduce_min3A_40 = vector.multi_reduction <minimumf>, %select_n3A_38, %reduce_min3A_39 [1] : vector<256x8192xf32> to vector<256xf32>
    %broadcast_in_dim3A_41 = vector.shape_cast %reduce_min3A_40 : vector<256xf32> to vector<256x1xf32>
    %eq3A_42 = vector.broadcast %broadcast_in_dim3A_41 : vector<256x1xf32> to vector<256x8192xf32>
    %eq3A_43 = arith.cmpf oeq, %select_n3A_38, %eq3A_42 : vector<256x8192xf32>
    %jit3A_44 = arith.constant 3.000000e+38 : f32
    %broadcast_in_dim3A_45 = vector.broadcast %jit3A_44 : f32 to vector<256x8192xf32>
    %select_n3A_46 = arith.select %eq3A_43, %convert_element_type3A, %broadcast_in_dim3A_45 : vector<256x8192xi1>, vector<256x8192xf32>
    %reduce_min3A_47 = arith.constant dense<0x7F800000> : vector<256xf32>
    %reduce_min3A_48 = vector.multi_reduction <minimumf>, %select_n3A_46, %reduce_min3A_47 [1] : vector<256x8192xf32> to vector<256xf32>
    %broadcast_in_dim3A_49 = vector.shape_cast %reduce_min3A_48 : vector<256xf32> to vector<256x1xf32>
    %add3A_50 = arith.addf %broadcast_in_dim3A_12, %broadcast_in_dim3A : vector<256x1xf32>
    %max3A = arith.constant 1.000000e-16 : f32
    %max3A_51 = vector.broadcast %max3A : f32 to vector<256x1xf32>
    %max3A_52 = arith.maximumf %add3A_50, %max3A_51 : vector<256x1xf32>
    %div3A = arith.constant 1.000000e+00 : f32
    %div3A_53 = vector.broadcast %div3A : f32 to vector<256x1xf32>
    %div3A_54 = arith.divf %div3A_53, %max3A_52 : vector<256x1xf32>
    %add3A_55 = arith.addf %broadcast_in_dim3A_25, %broadcast_in_dim3A : vector<256x1xf32>
    %max3A_56 = arith.constant 1.000000e-16 : f32
    %max3A_57 = vector.broadcast %max3A_56 : f32 to vector<256x1xf32>
    %max3A_58 = arith.maximumf %add3A_55, %max3A_57 : vector<256x1xf32>
    %div3A_59 = arith.constant 1.000000e+00 : f32
    %div3A_60 = vector.broadcast %div3A_59 : f32 to vector<256x1xf32>
    %div3A_61 = arith.divf %div3A_60, %max3A_58 : vector<256x1xf32>
    %add3A_62 = arith.addf %broadcast_in_dim3A_41, %broadcast_in_dim3A : vector<256x1xf32>
    %max3A_63 = arith.constant 1.000000e-16 : f32
    %max3A_64 = vector.broadcast %max3A_63 : f32 to vector<256x1xf32>
    %max3A_65 = arith.maximumf %add3A_62, %max3A_64 : vector<256x1xf32>
    %div3A_66 = arith.constant 1.000000e+00 : f32
    %div3A_67 = vector.broadcast %div3A_66 : f32 to vector<256x1xf32>
    %div3A_68 = arith.divf %div3A_67, %max3A_65 : vector<256x1xf32>
    %add3A_69 = arith.addf %div3A_54, %div3A_61 : vector<256x1xf32>
    %add3A_70 = arith.addf %add3A_69, %div3A_68 : vector<256x1xf32>
    %convert_element_type3A_71 = arith.fptosi %broadcast_in_dim3A_17 : vector<256x1xf32> to vector<256x1xi32>
    %swap3A = arith.constant 0 : index
    %swap3A_72 = arith.constant 0 : index
    %swap3A_73 = vector.load %arg4[%swap3A, %swap3A_72] : memref<256x1xi32, #tpu.memory_space<vmem>>, vector<256x1xi32>
    tpu.vector_store %arg4[%swap3A, %swap3A_72], %convert_element_type3A_71 {strides = array<i32>} : memref<256x1xi32, #tpu.memory_space<vmem>>, vector<256x1xi32>,
    %convert_element_type3A_74 = arith.fptosi %broadcast_in_dim3A_33 : vector<256x1xf32> to vector<256x1xi32>
    %swap3A_75 = arith.constant 0 : index
    %swap3A_76 = arith.constant 0 : index
    %swap3A_77 = vector.load %arg5[%swap3A_75, %swap3A_76] : memref<256x1xi32, #tpu.memory_space<vmem>>, vector<256x1xi32>
    tpu.vector_store %arg5[%swap3A_75, %swap3A_76], %convert_element_type3A_74 {strides = array<i32>} : memref<256x1xi32, #tpu.memory_space<vmem>>, vector<256x1xi32>,
    %convert_element_type3A_78 = arith.fptosi %broadcast_in_dim3A_49 : vector<256x1xf32> to vector<256x1xi32>
    %swap3A_79 = arith.constant 0 : index
    %swap3A_80 = arith.constant 0 : index
    %swap3A_81 = vector.load %arg6[%swap3A_79, %swap3A_80] : memref<256x1xi32, #tpu.memory_space<vmem>>, vector<256x1xi32>
    tpu.vector_store %arg6[%swap3A_79, %swap3A_80], %convert_element_type3A_78 {strides = array<i32>} : memref<256x1xi32, #tpu.memory_space<vmem>>, vector<256x1xi32>,
    %div3A_82 = arith.divf %div3A_54, %add3A_70 : vector<256x1xf32>
    %swap3A_83 = arith.constant 0 : index
    %swap3A_84 = arith.constant 0 : index
    %swap3A_85 = vector.load %arg7[%swap3A_83, %swap3A_84] : memref<256x1xf32, #tpu.memory_space<vmem>>, vector<256x1xf32>
    tpu.vector_store %arg7[%swap3A_83, %swap3A_84], %div3A_82 {strides = array<i32>} : memref<256x1xf32, #tpu.memory_space<vmem>>, vector<256x1xf32>,
    %div3A_86 = arith.divf %div3A_61, %add3A_70 : vector<256x1xf32>
    %swap3A_87 = arith.constant 0 : index
    %swap3A_88 = arith.constant 0 : index
    %swap3A_89 = vector.load %arg8[%swap3A_87, %swap3A_88] : memref<256x1xf32, #tpu.memory_space<vmem>>, vector<256x1xf32>
    tpu.vector_store %arg8[%swap3A_87, %swap3A_88], %div3A_86 {strides = array<i32>} : memref<256x1xf32, #tpu.memory_space<vmem>>, vector<256x1xf32>,
    %div3A_90 = arith.divf %div3A_68, %add3A_70 : vector<256x1xf32>
    %swap3A_91 = arith.constant 0 : index
    %swap3A_92 = arith.constant 0 : index
    %swap3A_93 = vector.load %arg9[%swap3A_91, %swap3A_92] : memref<256x1xf32, #tpu.memory_space<vmem>>, vector<256x1xf32>
    tpu.vector_store %arg9[%swap3A_91, %swap3A_92], %div3A_90 {strides = array<i32>} : memref<256x1xf32, #tpu.memory_space<vmem>>, vector<256x1xf32>,
    return
  }
  func.func @transform_0(%arg0: i32) -> (i32, i32) {
    %c0_i32 = arith.constant 0 : i32
    %c0_i32_0 = arith.constant 0 : i32
    return %arg0, %c0_i32 : i32, i32
  }
  func.func @transform_1(%arg0: i32) -> (i32, i32) {
    %c0_i32 = arith.constant 0 : i32
    %c0_i32_0 = arith.constant 0 : i32
    %c0_i32_1 = arith.constant 0 : i32
    return %c0_i32, %c0_i32_0 : i32, i32
  }
  func.func @transform_2(%arg0: i32) -> (i32, i32) {
    %c0_i32 = arith.constant 0 : i32
    %c0_i32_0 = arith.constant 0 : i32
    %c0_i32_1 = arith.constant 0 : i32
    return %c0_i32, %c0_i32_0 : i32, i32
  }
  func.func @transform_3(%arg0: i32) -> (i32, i32) {
    %c0_i32 = arith.constant 0 : i32
    %c0_i32_0 = arith.constant 0 : i32
    return %arg0, %c0_i32 : i32, i32
  }
  func.func @transform_4(%arg0: i32) -> (i32, i32) {
    %c0_i32 = arith.constant 0 : i32
    %c0_i32_0 = arith.constant 0 : i32
    return %arg0, %c0_i32 : i32, i32
  }
  func.func @transform_5(%arg0: i32) -> (i32, i32) {
    %c0_i32 = arith.constant 0 : i32
    %c0_i32_0 = arith.constant 0 : i32
    return %arg0, %c0_i32 : i32, i32
  }
  func.func @transform_6(%arg0: i32) -> (i32, i32) {
    %c0_i32 = arith.constant 0 : i32
    %c0_i32_0 = arith.constant 0 : i32
    return %arg0, %c0_i32 : i32, i32
  }
  func.func @transform_7(%arg0: i32) -> (i32, i32) {
    %c0_i32 = arith.constant 0 : i32
    %c0_i32_0 = arith.constant 0 : i32
    return %arg0, %c0_i32 : i32, i32
  }
  func.func @transform_8(%arg0: i32) -> (i32, i32) {
    %c0_i32 = arith.constant 0 : i32
    %c0_i32_0 = arith.constant 0 : i32
    return %arg0, %c0_i32 : i32, i32
  }
}

module attributes {stable_mosaic.version = 14 : i64} {
  func.func @_mlp1_body(%arg0: i32, %arg1: memref<2048x256xf32, #tpu.memory_space<vmem>>, %arg2: memref<2048x128xf32, #tpu.memory_space<vmem>>, %arg3: memref<256x256xf32, #tpu.memory_space<vmem>>, %arg4: memref<128x256xf32, #tpu.memory_space<vmem>>, %arg5: memref<1x256xf32, #tpu.memory_space<vmem>>, %arg6: memref<2048x256xf32, #tpu.memory_space<vmem>>, %arg7: memref<1x256xf32, #tpu.memory_space<vmem>>, %arg8: memref<1x256xf32, #tpu.memory_space<vmem>>) attributes {dimension_semantics = [#tpu.dimension_semantics<arbitrary>], iteration_bounds = array<i64: 32>, scalar_prefetch = 0 : i64, scratch_operands = 0 : i64, tpu.core_type = #tpu.core_type<tc>, window_params = [{transform_indices = @transform_0, window_bounds = array<i64: 2048, 256>}, {transform_indices = @transform_1, window_bounds = array<i64: 2048, 128>}, {pipeline_mode = #tpu.pipeline_mode<synchronous>, transform_indices = @transform_2, window_bounds = array<i64: 256, 256>}, {pipeline_mode = #tpu.pipeline_mode<synchronous>, transform_indices = @transform_3, window_bounds = array<i64: 128, 256>}, {pipeline_mode = #tpu.pipeline_mode<synchronous>, transform_indices = @transform_4, window_bounds = array<i64: 1, 256>}, {transform_indices = @transform_5, window_bounds = array<i64: 2048, 256>}, {pipeline_mode = #tpu.pipeline_mode<synchronous>, transform_indices = @transform_6, window_bounds = array<i64: 1, 256>}, {pipeline_mode = #tpu.pipeline_mode<synchronous>, transform_indices = @transform_7, window_bounds = array<i64: 1, 256>}]} {
    %get3A = arith.constant 0 : index
    %get3A_0 = arith.constant 0 : index
    %get3A_1 = vector.load %arg1[%get3A, %get3A_0] : memref<2048x256xf32, #tpu.memory_space<vmem>>, vector<2048x256xf32>
    %get3A_2 = arith.constant 0 : index
    %get3A_3 = arith.constant 0 : index
    %get3A_4 = vector.load %arg3[%get3A_2, %get3A_3] : memref<256x256xf32, #tpu.memory_space<vmem>>, vector<256x256xf32>
    %dot_general3A = arith.constant dense<0.000000e+00> : vector<2048x256xf32>
    %dot_general3A_5 = tpu.matmul %get3A_1, %get3A_4, %dot_general3A {dimension_numbers = #tpu.dot_dimension_numbers<[1], [0], [0], [1], [0, 0, 1, 1], [], []>, precision = #tpu.contract_precision<fp32>, transpose_lhs_hint = false} : vector<2048x256xf32>, vector<256x256xf32>, vector<2048x256xf32> -> vector<2048x256xf32>
    %get3A_6 = arith.constant 0 : index
    %get3A_7 = arith.constant 0 : index
    %get3A_8 = vector.load %arg2[%get3A_6, %get3A_7] : memref<2048x128xf32, #tpu.memory_space<vmem>>, vector<2048x128xf32>
    %get3A_9 = arith.constant 0 : index
    %get3A_10 = arith.constant 0 : index
    %get3A_11 = vector.load %arg4[%get3A_9, %get3A_10] : memref<128x256xf32, #tpu.memory_space<vmem>>, vector<128x256xf32>
    %dot_general3A_12 = arith.constant dense<0.000000e+00> : vector<2048x256xf32>
    %dot_general3A_13 = tpu.matmul %get3A_8, %get3A_11, %dot_general3A_12 {dimension_numbers = #tpu.dot_dimension_numbers<[1], [0], [0], [1], [0, 0, 1, 1], [], []>, precision = #tpu.contract_precision<fp32>, transpose_lhs_hint = false} : vector<2048x128xf32>, vector<128x256xf32>, vector<2048x256xf32> -> vector<2048x256xf32>
    %add3A = arith.addf %dot_general3A_5, %dot_general3A_13 : vector<2048x256xf32>
    %get3A_14 = arith.constant 0 : index
    %get3A_15 = arith.constant 0 : index
    %get3A_16 = vector.load %arg5[%get3A_14, %get3A_15] : memref<1x256xf32, #tpu.memory_space<vmem>>, vector<1x256xf32>
    %add3A_17 = vector.broadcast %get3A_16 : vector<1x256xf32> to vector<2048x256xf32>
    %add3A_18 = arith.addf %add3A, %add3A_17 : vector<2048x256xf32>
    %max3A = arith.constant 0.000000e+00 : f32
    %max3A_19 = vector.broadcast %max3A : f32 to vector<2048x256xf32>
    %max3A_20 = arith.maximumf %add3A_18, %max3A_19 : vector<2048x256xf32>
    %swap3A = arith.constant 0 : index
    %swap3A_21 = arith.constant 0 : index
    %swap3A_22 = vector.load %arg6[%swap3A, %swap3A_21] : memref<2048x256xf32, #tpu.memory_space<vmem>>, vector<2048x256xf32>
    tpu.vector_store %arg6[%swap3A, %swap3A_21], %max3A_20 {strides = array<i32>} : memref<2048x256xf32, #tpu.memory_space<vmem>>, vector<2048x256xf32>,
    %reduce_sum3A = arith.constant dense<0.000000e+00> : vector<256xf32>
    %reduce_sum3A_23 = vector.multi_reduction <add>, %max3A_20, %reduce_sum3A [0] : vector<2048x256xf32> to vector<256xf32>
    %broadcast_in_dim3A = vector.shape_cast %reduce_sum3A_23 : vector<256xf32> to vector<1x256xf32>
    %mul3A = arith.mulf %max3A_20, %max3A_20 : vector<2048x256xf32>
    %reduce_sum3A_24 = arith.constant dense<0.000000e+00> : vector<256xf32>
    %reduce_sum3A_25 = vector.multi_reduction <add>, %mul3A, %reduce_sum3A_24 [0] : vector<2048x256xf32> to vector<256xf32>
    %broadcast_in_dim3A_26 = vector.shape_cast %reduce_sum3A_25 : vector<256xf32> to vector<1x256xf32>
    %eq3A = arith.constant 0 : i32
    %eq3A_27 = arith.cmpi eq, %arg0, %eq3A : i32
    %convert_element_type3A = arith.extui %eq3A_27 : i1 to i32
    %cond3A = arith.constant 0 : i32
    %cond3A_28 = arith.cmpi ne, %convert_element_type3A, %cond3A : i32
    scf.if %cond3A_28 {
      %swap3A_33 = arith.constant 0 : index
      %swap3A_34 = arith.constant 0 : index
      %swap3A_35 = vector.load %arg7[%swap3A_33, %swap3A_34] : memref<1x256xf32, #tpu.memory_space<vmem>>, vector<1x256xf32>
      tpu.vector_store %arg7[%swap3A_33, %swap3A_34], %broadcast_in_dim3A {strides = array<i32>} : memref<1x256xf32, #tpu.memory_space<vmem>>, vector<1x256xf32>,
      %swap3A_36 = arith.constant 0 : index
      %swap3A_37 = arith.constant 0 : index
      %swap3A_38 = vector.load %arg8[%swap3A_36, %swap3A_37] : memref<1x256xf32, #tpu.memory_space<vmem>>, vector<1x256xf32>
      tpu.vector_store %arg8[%swap3A_36, %swap3A_37], %broadcast_in_dim3A_26 {strides = array<i32>} : memref<1x256xf32, #tpu.memory_space<vmem>>, vector<1x256xf32>,
    } else {
    }
    %ne3A = arith.constant 0 : i32
    %ne3A_29 = arith.cmpi ne, %arg0, %ne3A : i32
    %convert_element_type3A_30 = arith.extui %ne3A_29 : i1 to i32
    %cond3A_31 = arith.constant 0 : i32
    %cond3A_32 = arith.cmpi ne, %convert_element_type3A_30, %cond3A_31 : i32
    scf.if %cond3A_32 {
      %get3A_33 = arith.constant 0 : index
      %get3A_34 = arith.constant 0 : index
      %get3A_35 = vector.load %arg7[%get3A_33, %get3A_34] : memref<1x256xf32, #tpu.memory_space<vmem>>, vector<1x256xf32>
      %add3A_36 = arith.addf %get3A_35, %broadcast_in_dim3A : vector<1x256xf32>
      %swap3A_37 = arith.constant 0 : index
      %swap3A_38 = arith.constant 0 : index
      %swap3A_39 = vector.load %arg7[%swap3A_37, %swap3A_38] : memref<1x256xf32, #tpu.memory_space<vmem>>, vector<1x256xf32>
      tpu.vector_store %arg7[%swap3A_37, %swap3A_38], %add3A_36 {strides = array<i32>} : memref<1x256xf32, #tpu.memory_space<vmem>>, vector<1x256xf32>,
      %get3A_40 = arith.constant 0 : index
      %get3A_41 = arith.constant 0 : index
      %get3A_42 = vector.load %arg8[%get3A_40, %get3A_41] : memref<1x256xf32, #tpu.memory_space<vmem>>, vector<1x256xf32>
      %add3A_43 = arith.addf %get3A_42, %broadcast_in_dim3A_26 : vector<1x256xf32>
      %swap3A_44 = arith.constant 0 : index
      %swap3A_45 = arith.constant 0 : index
      %swap3A_46 = vector.load %arg8[%swap3A_44, %swap3A_45] : memref<1x256xf32, #tpu.memory_space<vmem>>, vector<1x256xf32>
      tpu.vector_store %arg8[%swap3A_44, %swap3A_45], %add3A_43 {strides = array<i32>} : memref<1x256xf32, #tpu.memory_space<vmem>>, vector<1x256xf32>,
    } else {
    }
    return
  }
  func.func @transform_0(%arg0: i32) -> (i32, i32) {
    %c0_i32 = arith.constant 0 : i32
    %c0_i32_0 = arith.constant 0 : i32
    return %arg0, %c0_i32 : i32, i32
  }
  func.func @transform_1(%arg0: i32) -> (i32, i32) {
    %c0_i32 = arith.constant 0 : i32
    %c0_i32_0 = arith.constant 0 : i32
    return %arg0, %c0_i32 : i32, i32
  }
  func.func @transform_2(%arg0: i32) -> (i32, i32) {
    %c0_i32 = arith.constant 0 : i32
    %c0_i32_0 = arith.constant 0 : i32
    %c0_i32_1 = arith.constant 0 : i32
    return %c0_i32, %c0_i32_0 : i32, i32
  }
  func.func @transform_3(%arg0: i32) -> (i32, i32) {
    %c0_i32 = arith.constant 0 : i32
    %c0_i32_0 = arith.constant 0 : i32
    %c0_i32_1 = arith.constant 0 : i32
    return %c0_i32, %c0_i32_0 : i32, i32
  }
  func.func @transform_4(%arg0: i32) -> (i32, i32) {
    %c0_i32 = arith.constant 0 : i32
    %c0_i32_0 = arith.constant 0 : i32
    %c0_i32_1 = arith.constant 0 : i32
    return %c0_i32, %c0_i32_0 : i32, i32
  }
  func.func @transform_5(%arg0: i32) -> (i32, i32) {
    %c0_i32 = arith.constant 0 : i32
    %c0_i32_0 = arith.constant 0 : i32
    return %arg0, %c0_i32 : i32, i32
  }
  func.func @transform_6(%arg0: i32) -> (i32, i32) {
    %c0_i32 = arith.constant 0 : i32
    %c0_i32_0 = arith.constant 0 : i32
    %c0_i32_1 = arith.constant 0 : i32
    return %c0_i32, %c0_i32_0 : i32, i32
  }
  func.func @transform_7(%arg0: i32) -> (i32, i32) {
    %c0_i32 = arith.constant 0 : i32
    %c0_i32_0 = arith.constant 0 : i32
    %c0_i32_1 = arith.constant 0 : i32
    return %c0_i32, %c0_i32_0 : i32, i32
  }
}

module attributes {stable_mosaic.version = 14 : i64} {
  func.func @_mlp2_body(%arg0: i32, %arg1: memref<2048x256xf32, #tpu.memory_space<vmem>>, %arg2: memref<1x256xf32, #tpu.memory_space<vmem>>, %arg3: memref<1x256xf32, #tpu.memory_space<vmem>>, %arg4: memref<1x256xf32, #tpu.memory_space<vmem>>, %arg5: memref<1x256xf32, #tpu.memory_space<vmem>>, %arg6: memref<256x128xf32, #tpu.memory_space<vmem>>, %arg7: memref<1x128xf32, #tpu.memory_space<vmem>>, %arg8: memref<2048x128xf32, #tpu.memory_space<vmem>>, %arg9: memref<1x128xf32, #tpu.memory_space<vmem>>, %arg10: memref<1x128xf32, #tpu.memory_space<vmem>>) attributes {dimension_semantics = [#tpu.dimension_semantics<arbitrary>], iteration_bounds = array<i64: 32>, scalar_prefetch = 0 : i64, scratch_operands = 0 : i64, tpu.core_type = #tpu.core_type<tc>, window_params = [{transform_indices = @transform_0, window_bounds = array<i64: 2048, 256>}, {pipeline_mode = #tpu.pipeline_mode<synchronous>, transform_indices = @transform_1, window_bounds = array<i64: 1, 256>}, {pipeline_mode = #tpu.pipeline_mode<synchronous>, transform_indices = @transform_2, window_bounds = array<i64: 1, 256>}, {pipeline_mode = #tpu.pipeline_mode<synchronous>, transform_indices = @transform_3, window_bounds = array<i64: 1, 256>}, {pipeline_mode = #tpu.pipeline_mode<synchronous>, transform_indices = @transform_4, window_bounds = array<i64: 1, 256>}, {pipeline_mode = #tpu.pipeline_mode<synchronous>, transform_indices = @transform_5, window_bounds = array<i64: 256, 128>}, {pipeline_mode = #tpu.pipeline_mode<synchronous>, transform_indices = @transform_6, window_bounds = array<i64: 1, 128>}, {transform_indices = @transform_7, window_bounds = array<i64: 2048, 128>}, {pipeline_mode = #tpu.pipeline_mode<synchronous>, transform_indices = @transform_8, window_bounds = array<i64: 1, 128>}, {pipeline_mode = #tpu.pipeline_mode<synchronous>, transform_indices = @transform_9, window_bounds = array<i64: 1, 128>}]} {
    %get3A = arith.constant 0 : index
    %get3A_0 = arith.constant 0 : index
    %get3A_1 = vector.load %arg2[%get3A, %get3A_0] : memref<1x256xf32, #tpu.memory_space<vmem>>, vector<1x256xf32>
    %div3A = arith.constant 6.553600e+04 : f32
    %div3A_2 = vector.broadcast %div3A : f32 to vector<1x256xf32>
    %div3A_3 = arith.divf %get3A_1, %div3A_2 : vector<1x256xf32>
    %get3A_4 = arith.constant 0 : index
    %get3A_5 = arith.constant 0 : index
    %get3A_6 = vector.load %arg3[%get3A_4, %get3A_5] : memref<1x256xf32, #tpu.memory_space<vmem>>, vector<1x256xf32>
    %div3A_7 = arith.constant 6.553600e+04 : f32
    %div3A_8 = vector.broadcast %div3A_7 : f32 to vector<1x256xf32>
    %div3A_9 = arith.divf %get3A_6, %div3A_8 : vector<1x256xf32>
    %mul3A = arith.mulf %div3A_3, %div3A_3 : vector<1x256xf32>
    %sub3A = arith.subf %div3A_9, %mul3A : vector<1x256xf32>
    %get3A_10 = arith.constant 0 : index
    %get3A_11 = arith.constant 0 : index
    %get3A_12 = vector.load %arg4[%get3A_10, %get3A_11] : memref<1x256xf32, #tpu.memory_space<vmem>>, vector<1x256xf32>
    %add3A = arith.constant 9.99999974E-6 : f32
    %add3A_13 = vector.broadcast %add3A : f32 to vector<1x256xf32>
    %add3A_14 = arith.addf %sub3A, %add3A_13 : vector<1x256xf32>
    %sqrt3A = math.sqrt %add3A_14 : vector<1x256xf32>
    %div3A_15 = arith.divf %get3A_12, %sqrt3A : vector<1x256xf32>
    %get3A_16 = arith.constant 0 : index
    %get3A_17 = arith.constant 0 : index
    %get3A_18 = vector.load %arg6[%get3A_16, %get3A_17] : memref<256x128xf32, #tpu.memory_space<vmem>>, vector<256x128xf32>
    %transpose3A = tpu.transpose %div3A_15, [1, 0] : vector<1x256xf32> -> vector<256x1xf32>
    %mul3A_19 = vector.broadcast %transpose3A : vector<256x1xf32> to vector<256x128xf32>
    %mul3A_20 = arith.mulf %get3A_18, %mul3A_19 : vector<256x128xf32>
    %get3A_21 = arith.constant 0 : index
    %get3A_22 = arith.constant 0 : index
    %get3A_23 = vector.load %arg5[%get3A_21, %get3A_22] : memref<1x256xf32, #tpu.memory_space<vmem>>, vector<1x256xf32>
    %mul3A_24 = arith.mulf %div3A_3, %div3A_15 : vector<1x256xf32>
    %sub3A_25 = arith.subf %get3A_23, %mul3A_24 : vector<1x256xf32>
    %get3A_26 = arith.constant 0 : index
    %get3A_27 = arith.constant 0 : index
    %get3A_28 = vector.load %arg6[%get3A_26, %get3A_27] : memref<256x128xf32, #tpu.memory_space<vmem>>, vector<256x128xf32>
    %dot_general3A = arith.constant dense<0.000000e+00> : vector<1x128xf32>
    %dot_general3A_29 = tpu.matmul %sub3A_25, %get3A_28, %dot_general3A {dimension_numbers = #tpu.dot_dimension_numbers<[1], [0], [0], [1], [0, 0, 1, 1], [], []>, precision = #tpu.contract_precision<fp32>, transpose_lhs_hint = false} : vector<1x256xf32>, vector<256x128xf32>, vector<1x128xf32> -> vector<1x128xf32>
    %get3A_30 = arith.constant 0 : index
    %get3A_31 = arith.constant 0 : index
    %get3A_32 = vector.load %arg7[%get3A_30, %get3A_31] : memref<1x128xf32, #tpu.memory_space<vmem>>, vector<1x128xf32>
    %add3A_33 = arith.addf %dot_general3A_29, %get3A_32 : vector<1x128xf32>
    %get3A_34 = arith.constant 0 : index
    %get3A_35 = arith.constant 0 : index
    %get3A_36 = vector.load %arg1[%get3A_34, %get3A_35] : memref<2048x256xf32, #tpu.memory_space<vmem>>, vector<2048x256xf32>
    %dot_general3A_37 = arith.constant dense<0.000000e+00> : vector<2048x128xf32>
    %dot_general3A_38 = tpu.matmul %get3A_36, %mul3A_20, %dot_general3A_37 {dimension_numbers = #tpu.dot_dimension_numbers<[1], [0], [0], [1], [0, 0, 1, 1], [], []>, precision = #tpu.contract_precision<fp32>, transpose_lhs_hint = false} : vector<2048x256xf32>, vector<256x128xf32>, vector<2048x128xf32> -> vector<2048x128xf32>
    %add3A_39 = vector.broadcast %add3A_33 : vector<1x128xf32> to vector<2048x128xf32>
    %add3A_40 = arith.addf %dot_general3A_38, %add3A_39 : vector<2048x128xf32>
    %max3A = arith.constant 0.000000e+00 : f32
    %max3A_41 = vector.broadcast %max3A : f32 to vector<2048x128xf32>
    %max3A_42 = arith.maximumf %add3A_40, %max3A_41 : vector<2048x128xf32>
    %swap3A = arith.constant 0 : index
    %swap3A_43 = arith.constant 0 : index
    %swap3A_44 = vector.load %arg8[%swap3A, %swap3A_43] : memref<2048x128xf32, #tpu.memory_space<vmem>>, vector<2048x128xf32>
    tpu.vector_store %arg8[%swap3A, %swap3A_43], %max3A_42 {strides = array<i32>} : memref<2048x128xf32, #tpu.memory_space<vmem>>, vector<2048x128xf32>,
    %reduce_sum3A = arith.constant dense<0.000000e+00> : vector<128xf32>
    %reduce_sum3A_45 = vector.multi_reduction <add>, %max3A_42, %reduce_sum3A [0] : vector<2048x128xf32> to vector<128xf32>
    %broadcast_in_dim3A = vector.shape_cast %reduce_sum3A_45 : vector<128xf32> to vector<1x128xf32>
    %mul3A_46 = arith.mulf %max3A_42, %max3A_42 : vector<2048x128xf32>
    %reduce_sum3A_47 = arith.constant dense<0.000000e+00> : vector<128xf32>
    %reduce_sum3A_48 = vector.multi_reduction <add>, %mul3A_46, %reduce_sum3A_47 [0] : vector<2048x128xf32> to vector<128xf32>
    %broadcast_in_dim3A_49 = vector.shape_cast %reduce_sum3A_48 : vector<128xf32> to vector<1x128xf32>
    %eq3A = arith.constant 0 : i32
    %eq3A_50 = arith.cmpi eq, %arg0, %eq3A : i32
    %convert_element_type3A = arith.extui %eq3A_50 : i1 to i32
    %cond3A = arith.constant 0 : i32
    %cond3A_51 = arith.cmpi ne, %convert_element_type3A, %cond3A : i32
    scf.if %cond3A_51 {
      %swap3A_56 = arith.constant 0 : index
      %swap3A_57 = arith.constant 0 : index
      %swap3A_58 = vector.load %arg9[%swap3A_56, %swap3A_57] : memref<1x128xf32, #tpu.memory_space<vmem>>, vector<1x128xf32>
      tpu.vector_store %arg9[%swap3A_56, %swap3A_57], %broadcast_in_dim3A {strides = array<i32>} : memref<1x128xf32, #tpu.memory_space<vmem>>, vector<1x128xf32>,
      %swap3A_59 = arith.constant 0 : index
      %swap3A_60 = arith.constant 0 : index
      %swap3A_61 = vector.load %arg10[%swap3A_59, %swap3A_60] : memref<1x128xf32, #tpu.memory_space<vmem>>, vector<1x128xf32>
      tpu.vector_store %arg10[%swap3A_59, %swap3A_60], %broadcast_in_dim3A_49 {strides = array<i32>} : memref<1x128xf32, #tpu.memory_space<vmem>>, vector<1x128xf32>,
    } else {
    }
    %ne3A = arith.constant 0 : i32
    %ne3A_52 = arith.cmpi ne, %arg0, %ne3A : i32
    %convert_element_type3A_53 = arith.extui %ne3A_52 : i1 to i32
    %cond3A_54 = arith.constant 0 : i32
    %cond3A_55 = arith.cmpi ne, %convert_element_type3A_53, %cond3A_54 : i32
    scf.if %cond3A_55 {
      %get3A_56 = arith.constant 0 : index
      %get3A_57 = arith.constant 0 : index
      %get3A_58 = vector.load %arg9[%get3A_56, %get3A_57] : memref<1x128xf32, #tpu.memory_space<vmem>>, vector<1x128xf32>
      %add3A_59 = arith.addf %get3A_58, %broadcast_in_dim3A : vector<1x128xf32>
      %swap3A_60 = arith.constant 0 : index
      %swap3A_61 = arith.constant 0 : index
      %swap3A_62 = vector.load %arg9[%swap3A_60, %swap3A_61] : memref<1x128xf32, #tpu.memory_space<vmem>>, vector<1x128xf32>
      tpu.vector_store %arg9[%swap3A_60, %swap3A_61], %add3A_59 {strides = array<i32>} : memref<1x128xf32, #tpu.memory_space<vmem>>, vector<1x128xf32>,
      %get3A_63 = arith.constant 0 : index
      %get3A_64 = arith.constant 0 : index
      %get3A_65 = vector.load %arg10[%get3A_63, %get3A_64] : memref<1x128xf32, #tpu.memory_space<vmem>>, vector<1x128xf32>
      %add3A_66 = arith.addf %get3A_65, %broadcast_in_dim3A_49 : vector<1x128xf32>
      %swap3A_67 = arith.constant 0 : index
      %swap3A_68 = arith.constant 0 : index
      %swap3A_69 = vector.load %arg10[%swap3A_67, %swap3A_68] : memref<1x128xf32, #tpu.memory_space<vmem>>, vector<1x128xf32>
      tpu.vector_store %arg10[%swap3A_67, %swap3A_68], %add3A_66 {strides = array<i32>} : memref<1x128xf32, #tpu.memory_space<vmem>>, vector<1x128xf32>,
    } else {
    }
    return
  }
  func.func @transform_0(%arg0: i32) -> (i32, i32) {
    %c0_i32 = arith.constant 0 : i32
    %c0_i32_0 = arith.constant 0 : i32
    return %arg0, %c0_i32 : i32, i32
  }
  func.func @transform_1(%arg0: i32) -> (i32, i32) {
    %c0_i32 = arith.constant 0 : i32
    %c0_i32_0 = arith.constant 0 : i32
    %c0_i32_1 = arith.constant 0 : i32
    return %c0_i32, %c0_i32_0 : i32, i32
  }
  func.func @transform_2(%arg0: i32) -> (i32, i32) {
    %c0_i32 = arith.constant 0 : i32
    %c0_i32_0 = arith.constant 0 : i32
    %c0_i32_1 = arith.constant 0 : i32
    return %c0_i32, %c0_i32_0 : i32, i32
  }
  func.func @transform_3(%arg0: i32) -> (i32, i32) {
    %c0_i32 = arith.constant 0 : i32
    %c0_i32_0 = arith.constant 0 : i32
    %c0_i32_1 = arith.constant 0 : i32
    return %c0_i32, %c0_i32_0 : i32, i32
  }
  func.func @transform_4(%arg0: i32) -> (i32, i32) {
    %c0_i32 = arith.constant 0 : i32
    %c0_i32_0 = arith.constant 0 : i32
    %c0_i32_1 = arith.constant 0 : i32
    return %c0_i32, %c0_i32_0 : i32, i32
  }
  func.func @transform_5(%arg0: i32) -> (i32, i32) {
    %c0_i32 = arith.constant 0 : i32
    %c0_i32_0 = arith.constant 0 : i32
    %c0_i32_1 = arith.constant 0 : i32
    return %c0_i32, %c0_i32_0 : i32, i32
  }
  func.func @transform_6(%arg0: i32) -> (i32, i32) {
    %c0_i32 = arith.constant 0 : i32
    %c0_i32_0 = arith.constant 0 : i32
    %c0_i32_1 = arith.constant 0 : i32
    return %c0_i32, %c0_i32_0 : i32, i32
  }
  func.func @transform_7(%arg0: i32) -> (i32, i32) {
    %c0_i32 = arith.constant 0 : i32
    %c0_i32_0 = arith.constant 0 : i32
    return %arg0, %c0_i32 : i32, i32
  }
  func.func @transform_8(%arg0: i32) -> (i32, i32) {
    %c0_i32 = arith.constant 0 : i32
    %c0_i32_0 = arith.constant 0 : i32
    %c0_i32_1 = arith.constant 0 : i32
    return %c0_i32, %c0_i32_0 : i32, i32
  }
  func.func @transform_9(%arg0: i32) -> (i32, i32) {
    %c0_i32 = arith.constant 0 : i32
    %c0_i32_0 = arith.constant 0 : i32
    %c0_i32_1 = arith.constant 0 : i32
    return %c0_i32, %c0_i32_0 : i32, i32
  }
}

module attributes {stable_mosaic.version = 14 : i64} {
  func.func @_fin_body(%arg0: i32, %arg1: memref<2048x128xf32, #tpu.memory_space<vmem>>, %arg2: memref<1x128xf32, #tpu.memory_space<vmem>>, %arg3: memref<1x128xf32, #tpu.memory_space<vmem>>, %arg4: memref<1x128xf32, #tpu.memory_space<vmem>>, %arg5: memref<1x128xf32, #tpu.memory_space<vmem>>, %arg6: memref<2048x128xf32, #tpu.memory_space<vmem>>) attributes {dimension_semantics = [#tpu.dimension_semantics<arbitrary>], iteration_bounds = array<i64: 32>, scalar_prefetch = 0 : i64, scratch_operands = 0 : i64, tpu.core_type = #tpu.core_type<tc>, window_params = [{transform_indices = @transform_0, window_bounds = array<i64: 2048, 128>}, {pipeline_mode = #tpu.pipeline_mode<synchronous>, transform_indices = @transform_1, window_bounds = array<i64: 1, 128>}, {pipeline_mode = #tpu.pipeline_mode<synchronous>, transform_indices = @transform_2, window_bounds = array<i64: 1, 128>}, {pipeline_mode = #tpu.pipeline_mode<synchronous>, transform_indices = @transform_3, window_bounds = array<i64: 1, 128>}, {pipeline_mode = #tpu.pipeline_mode<synchronous>, transform_indices = @transform_4, window_bounds = array<i64: 1, 128>}, {transform_indices = @transform_5, window_bounds = array<i64: 2048, 128>}]} {
    %get3A = arith.constant 0 : index
    %get3A_0 = arith.constant 0 : index
    %get3A_1 = vector.load %arg2[%get3A, %get3A_0] : memref<1x128xf32, #tpu.memory_space<vmem>>, vector<1x128xf32>
    %div3A = arith.constant 6.553600e+04 : f32
    %div3A_2 = vector.broadcast %div3A : f32 to vector<1x128xf32>
    %div3A_3 = arith.divf %get3A_1, %div3A_2 : vector<1x128xf32>
    %get3A_4 = arith.constant 0 : index
    %get3A_5 = arith.constant 0 : index
    %get3A_6 = vector.load %arg3[%get3A_4, %get3A_5] : memref<1x128xf32, #tpu.memory_space<vmem>>, vector<1x128xf32>
    %div3A_7 = arith.constant 6.553600e+04 : f32
    %div3A_8 = vector.broadcast %div3A_7 : f32 to vector<1x128xf32>
    %div3A_9 = arith.divf %get3A_6, %div3A_8 : vector<1x128xf32>
    %mul3A = arith.mulf %div3A_3, %div3A_3 : vector<1x128xf32>
    %sub3A = arith.subf %div3A_9, %mul3A : vector<1x128xf32>
    %get3A_10 = arith.constant 0 : index
    %get3A_11 = arith.constant 0 : index
    %get3A_12 = vector.load %arg4[%get3A_10, %get3A_11] : memref<1x128xf32, #tpu.memory_space<vmem>>, vector<1x128xf32>
    %add3A = arith.constant 9.99999974E-6 : f32
    %add3A_13 = vector.broadcast %add3A : f32 to vector<1x128xf32>
    %add3A_14 = arith.addf %sub3A, %add3A_13 : vector<1x128xf32>
    %sqrt3A = math.sqrt %add3A_14 : vector<1x128xf32>
    %div3A_15 = arith.divf %get3A_12, %sqrt3A : vector<1x128xf32>
    %get3A_16 = arith.constant 0 : index
    %get3A_17 = arith.constant 0 : index
    %get3A_18 = vector.load %arg1[%get3A_16, %get3A_17] : memref<2048x128xf32, #tpu.memory_space<vmem>>, vector<2048x128xf32>
    %sub3A_19 = vector.broadcast %div3A_3 : vector<1x128xf32> to vector<2048x128xf32>
    %sub3A_20 = arith.subf %get3A_18, %sub3A_19 : vector<2048x128xf32>
    %mul3A_21 = vector.broadcast %div3A_15 : vector<1x128xf32> to vector<2048x128xf32>
    %mul3A_22 = arith.mulf %sub3A_20, %mul3A_21 : vector<2048x128xf32>
    %get3A_23 = arith.constant 0 : index
    %get3A_24 = arith.constant 0 : index
    %get3A_25 = vector.load %arg5[%get3A_23, %get3A_24] : memref<1x128xf32, #tpu.memory_space<vmem>>, vector<1x128xf32>
    %add3A_26 = vector.broadcast %get3A_25 : vector<1x128xf32> to vector<2048x128xf32>
    %add3A_27 = arith.addf %mul3A_22, %add3A_26 : vector<2048x128xf32>
    %swap3A = arith.constant 0 : index
    %swap3A_28 = arith.constant 0 : index
    %swap3A_29 = vector.load %arg6[%swap3A, %swap3A_28] : memref<2048x128xf32, #tpu.memory_space<vmem>>, vector<2048x128xf32>
    tpu.vector_store %arg6[%swap3A, %swap3A_28], %add3A_27 {strides = array<i32>} : memref<2048x128xf32, #tpu.memory_space<vmem>>, vector<2048x128xf32>,
    return
  }
  func.func @transform_0(%arg0: i32) -> (i32, i32) {
    %c0_i32 = arith.constant 0 : i32
    %c0_i32_0 = arith.constant 0 : i32
    return %arg0, %c0_i32 : i32, i32
  }
  func.func @transform_1(%arg0: i32) -> (i32, i32) {
    %c0_i32 = arith.constant 0 : i32
    %c0_i32_0 = arith.constant 0 : i32
    %c0_i32_1 = arith.constant 0 : i32
    return %c0_i32, %c0_i32_0 : i32, i32
  }
  func.func @transform_2(%arg0: i32) -> (i32, i32) {
    %c0_i32 = arith.constant 0 : i32
    %c0_i32_0 = arith.constant 0 : i32
    %c0_i32_1 = arith.constant 0 : i32
    return %c0_i32, %c0_i32_0 : i32, i32
  }
  func.func @transform_3(%arg0: i32) -> (i32, i32) {
    %c0_i32 = arith.constant 0 : i32
    %c0_i32_0 = arith.constant 0 : i32
    %c0_i32_1 = arith.constant 0 : i32
    return %c0_i32, %c0_i32_0 : i32, i32
  }
  func.func @transform_4(%arg0: i32) -> (i32, i32) {
    %c0_i32 = arith.constant 0 : i32
    %c0_i32_0 = arith.constant 0 : i32
    %c0_i32_1 = arith.constant 0 : i32
    return %c0_i32, %c0_i32_0 : i32, i32
  }
  func.func @transform_5(%arg0: i32) -> (i32, i32) {
    %c0_i32 = arith.constant 0 : i32
    %c0_i32_0 = arith.constant 0 : i32
    return %arg0, %c0_i32 : i32, i32
  }
}

</mosaic_0001>

<sc_bundles>
// kernel: _run.7.cloned.1.call-start
scs
__scs_entry_jumppad:
0x0: {  	(pc) =	sbr.rel $0x88, $3  }
0x1: {  	(tag) =	ssettag $0x0;
	lr =	simm.s32 $0x1  }
0x2: {  	[smem:$0x3F95] =	sst lr;
	_ =	strace $0xD0000000  }
0x3: {  	_ = 	snop  }
0x4: {  	_ = 	snop  }
0x5: {  	_ = 	snop  }
0x6: {  	_ = 	snop  }
0x7: {  	_ = 	snop  }
__scs_overlays_trampoline_lowered:
0x8: {  	[smem:$0x3FA4] =	sst s0  }
0x9: {  	[smem:$0x3FA5] =	sst s1  }
0xa: {  	[smem:$0x3FA6] =	sst s2  }
0xb: {  	[smem:$0x3FA7] =	sst s3  }
0xc: {  	[smem:$0x3FA8] =	sst s4  }
0xd: {  	[smem:$0x3FA9] =	sst s5  }
0xe: {  	[smem:$0x3FAA] =	sst s6  }
0xf: {  	[smem:$0x3FAB] =	sst s7  }
0x10: {  	[smem:$0x3FAC] =	sst s8  }
0x11: {  	[smem:$0x3FAD] =	sst s9;
	s0 =	simm.s32 @!p0 $0x0  }
0x12: {  	s1 =	sld [smem:$0x3F93];
	s0 =	simm.s32 @p0 $0x1  }
0x13: {  	[smem:$0x3FAE] =	sst s0;
	s0 =	simm.s32 @!p1 $0x0  }
0x14: {  	s2 =	sld [smem:$0x3F92];
	s0 =	simm.s32 @p1 $0x1  }
0x15: {  	[smem:$0x3FAF] =	sst s0;
	s0 =	simm.s32 @!p2 $0x0  }
0x16: {  	s3 =	sld [smem:$0x3FDB];
	s0 =	simm.s32 @p2 $0x1  }
0x17: {  	s4 =	simm.s32 $0x1BF5;
	[smem:$0x3FB1] =	sst s0  }
0x18: {  	s0 =	sld [smem:$0x3F94];
	_ =	swait.ge [sflag:s4], $0x0  }
0x19: {  	s7 =	sld [smem:$0x3F95]  }
0x1a: {  	s8 =	sadd.s32 $0xFFFFE003, lr  }
0x1b: {  	s9 =	sadd.s32 $0xFFFFFEF7, lr;
	s5 =	simm.s32 $0xFFFFFFFF;
	p2 =	slt.u32 s8, $0xFFFFF086  }
0x1c: {  	p1 =	slt.u32 s9, $0xF7A;
	s5 =	simm.s32 @!p2 $0x0  }
0x1d: {  	s5 =	simm.s32 @p1 $0x1;
	p0 =	seq.s32 s7, s2  }
0x1e: {  	s7 =	smul.u32 @!p0 $0xF7A, s2;
	p2 =	seq.s32 @!p0 s5, $0x0  }
0x1f: {  	s9 =	smul.u32 $0xF7A, s1;
	s8 =	simm.s32 @!p0 $0x1BF5;
	p2 =	por !p2, p0  }
0x20: {  	[sflag:s8] =	ssyncset.s32 @!p0 $0xFFFFF086;
	s6 =	sadd.s32 @!p0 s3, s7;
	s7 =	simm.s32 @!p0 $0x108  }
0x21: {  	s3 =	sadd.s32 s3, s9;
	s6 =	sadd.s32 @!p0 $0x88, s6;
	s7 =	simm.s32 @p2 $0x1082  }
0x22: {  	[simem:s7], [sflag:s8] =	dma.local @!p0 [hbm:s6], $0xF7A  }
0x23: {  	s9 =	sor.u32 $0xD0000000, s2;
	s6 =	simm.s32 $0x108;
	_ =	swait.ge @!p0 [sflag:s8], $0x0  }
0x24: {  	s3 =	sadd.s32 $0x88, s3;
	s6 =	simm.s32 @!p1 $0x1082;
	[sflag:s4] =	ssyncset.s32 $0xFFFFF086  }
0x25: {  	[simem:s6], [sflag:s4] =	dma.local [hbm:s3], $0xF7A  }
0x26: {  	[smem:$0x3F95] =	sst s1;
	(tag) =	ssettag s2;
	_ =	strace s9  }
0x27: {  	s1 =	sld [smem:$0x3FA5]  }
0x28: {  	s2 =	sld [smem:$0x3FA6]  }
0x29: {  	s4 =	sld [smem:$0x3FA8]  }
0x2a: {  	p0 =	seq.s32 s5, $0x0;
	s5 =	sld [smem:$0x3FA9]  }
0x2b: {  	s6 =	sld [smem:$0x3FAA]  }
0x2c: {  	s7 =	sld [smem:$0x3FAB]  }
0x2d: {  	s3 =	simm.s32 $0x108;
	s8 =	sld [smem:$0x3FAC]  }
0x2e: {  	s3 =	simm.s32 @!p0 $0x1082;
	s9 =	sld [smem:$0x3FAD]  }
0x2f: {  	lr =	sadd.s32 s0, s3;
	s0 =	sld [smem:$0x3FA4]  }
0x30: {  	s3 =	sld [smem:$0x3FA7]  }
0x31: {  	[smem:$0x3FB0] =	sst s10  }
0x32: {  	s10 =	sld [smem:$0x3FAE];
	_ =	sdelay $0x3  }
0x33: {  	p0 =	seq.s32 s10, $0x1;
	s10 =	sld [smem:$0x3FB0];
	_ =	sdelay $0x3  }
0x34: {  	[smem:$0x3FB0] =	sst s10  }
0x35: {  	s10 =	sld [smem:$0x3FAF];
	_ =	sdelay $0x3  }
0x36: {  	p1 =	seq.s32 s10, $0x1;
	s10 =	sld [smem:$0x3FB0];
	_ =	sdelay $0x3  }
0x37: {  	[smem:$0x3FB0] =	sst s10  }
0x38: {  	s10 =	sld [smem:$0x3FB1]  }
0x39: {  	_ = 	snop;
	(pc) =	sbr.ind lr, $3  }
0x3a: {  	_ = 	snop  }
0x3b: {  	_ = 	snop  }
0x3c: {  	p2 =	seq.s32 s10, $0x1;
	s10 =	sld [smem:$0x3FB0]  }
0x3d: {  	_ =	shalt  }
0x3e: {  	_ =	shalt  }
0x3f: {  	_ =	shalt  }
0x40: {  	_ =	shalt  }
0x41: {  	_ =	shalt  }
0x42: {  	_ =	shalt  }
0x43: {  	_ =	shalt  }
0x44: {  	_ =	shalt  }
0x45: {  	_ =	shalt  }
0x46: {  	_ =	shalt  }
0x47: {  	_ =	shalt  }
0x48: {  	_ =	shalt  }
0x49: {  	_ =	shalt  }
0x4a: {  	_ =	shalt  }
0x4b: {  	_ =	shalt  }
0x4c: {  	_ =	shalt  }
0x4d: {  	_ =	shalt  }
0x4e: {  	_ =	shalt  }
0x4f: {  	_ =	shalt  }
0x50: {  	_ =	shalt  }
0x51: {  	_ =	shalt  }
0x52: {  	_ =	shalt  }
0x53: {  	_ =	shalt  }
0x54: {  	_ =	shalt  }
0x55: {  	_ =	shalt  }
0x56: {  	_ =	shalt  }
0x57: {  	_ =	shalt  }
0x58: {  	_ =	shalt  }
0x59: {  	_ =	shalt  }
0x5a: {  	_ =	shalt  }
0x5b: {  	_ =	shalt  }
0x5c: {  	_ =	shalt  }
0x5d: {  	_ =	shalt  }
0x5e: {  	_ =	shalt  }
0x5f: {  	_ =	shalt  }
0x60: {  	_ =	shalt  }
0x61: {  	_ =	shalt  }
0x62: {  	_ =	shalt  }
0x63: {  	_ =	shalt  }
0x64: {  	_ =	shalt  }
0x65: {  	_ =	shalt  }
0x66: {  	_ =	shalt  }
0x67: {  	_ =	shalt  }
0x68: {  	_ =	shalt  }
0x69: {  	_ =	shalt  }
0x6a: {  	_ =	shalt  }
0x6b: {  	_ =	shalt  }
0x6c: {  	_ =	shalt  }
0x6d: {  	_ =	shalt  }
0x6e: {  	_ =	shalt  }
0x6f: {  	_ =	shalt  }
0x70: {  	_ =	shalt  }
0x71: {  	_ =	shalt  }
0x72: {  	_ =	shalt  }
0x73: {  	_ =	shalt  }
0x74: {  	_ =	shalt  }
0x75: {  	_ =	shalt  }
0x76: {  	_ =	shalt  }
0x77: {  	_ =	shalt  }
0x78: {  	_ =	shalt  }
0x79: {  	_ =	shalt  }
0x7a: {  	_ =	shalt  }
0x7b: {  	_ =	shalt  }
0x7c: {  	_ =	shalt  }
0x7d: {  	_ =	shalt  }
0x7e: {  	_ =	shalt  }
0x7f: {  	_ =	shalt  }
0x80: {  	_ =	shalt  }
0x81: {  	_ =	shalt  }
0x82: {  	_ =	shalt  }
0x83: {  	_ =	shalt  }
0x84: {  	_ =	shalt  }
0x85: {  	_ =	shalt  }
0x86: {  	_ =	shalt  }
0x87: {  	_ =	shalt  }
.Lfunc_end0:
.L_simem_size_0:
called_computation_lowered:
.L_overlay_start_0:
0x88: {  	s2 =	sld [smem:$0x3FD9]  }
0x89: {  	s3 =	sld [smem:$0x3FFE];
	_ =	sdelay $0x1  }
0x8a: {  	s1 =	srdreg.scid  }
0x8b: {  	s0 =	sand.u32 $0x1, s1  }
0x8c: {  	s17 =	sshll.u32 s0, $0xA;
	s2 =	sadd.s32 s3, s2  }
0x8d: {  	s2 =	sadd.s32 s2, s17  }
0x8e: {  	[smem:$0x3FBC] =	sst s2  }
0x8f: {  	_ = 	snop  }
0x90: {  	s2 =	sld [smem:$0x3FC9]  }
0x91: {  	s18 =	sld [smem:$0x3FD0];
	(tm) =	ssettm $0x1  }
0x92: {  	s4 =	sld [smem:$0x3FFB];
	_ =	sdelay $0x3  }
0x93: {  	_ =	strace s4  }
0x94: {  	s4 =	sld [smem:$0x3FFC];
	_ =	sdelay $0x3  }
0x95: {  	_ =	strace s4  }
0x96: {  	s4 =	sld [smem:$0x3FFD];
	_ =	sdelay $0x3  }
0x97: {  	_ =	strace s4  }
0x98: {  	_ =	strace $0x8FFFFFFF  }
0x99: {  	s19 =	sld [smem:$0x3FDB];
	_ =	sdelay $0x1  }
0x9a: {  	s5 =	simm.s32 $_scs_section_size  }
0x9b: {  	s6 =	simm.s32 $_size__tile_overlayer_lowered;
	s7 =	simm.s32 $_tile_overlayer_lowered  }
0x9c: {  	s22 =	simm.s32 $0x1BFF;
	s21 =	sshll.u32 s7, $0x1;
	s4 =	sadd.s32 s5, s19  }
0x9d: {  	s8 =	simm.s32 $0x0;
	s20 =	sshll.u32 s6, $0x1;
	s6 =	sadd.s32 s21, s4  }
0x9e: {  	[timem:s8], [sflag:s22] =	dma.local [hbm:s6], s20  }
0x9f: {  	_ =	swait.ge [sflag:s22], s20  }
0xa0: {  	s5 =	ssub.s32 $0x0, s20;
	[sflag:s22] =	ssyncset.done $0x0  }
0xa1: {  	[sflag:s22] =	ssyncadd.s32 s5;
	_ =	sdelay $0x1  }
0xa2: {  	s23 =	simm.s32 $0x1B8B  }
0xa3: {  	_ =	swait.ge [sflag:s23], $0x1  }
0xa4: {  	[sflag:s23] =	ssyncset.done $0x0  }
0xa5: {  	s25 =	simm.s32 $0x1B8E;
	s24 =	sld [smem:$0x3FFE];
	[sflag:s23] =	ssyncadd.s32 $0xFFFFFFFF  }
0xa6: {  	s26 =	simm.s32 $execute0_lowered;
	[smem:$0x3FD2] =	sst s25  }
0xa7: {  	s6 =	sshll.u32 s26, $0x1;
	_ =	strace $0x80000046;
	[dreg:$0x1] =	wrdreg $0xFFFFFFFF  }
0xa8: {  	s28 =	simm.s32 $_size_execute0_lowered;
	s4 =	sadd.s32 s4, s6;
	[dreg:$0x0] =	wrdreg $0x0  }
0xa9: {  	s6 =	sshll.u32 s28, $0x1;
	[dreg:$0x2] =	wrdreg s4  }
0xaa: {  	[dreg:$0x3] =	wrdreg s6  }
0xab: {  	[dreg:$0x4] =	wrdreg $0xC0  }
0xac: {  	_ =	task [dreg:s8], $0x5FFFF  }
0xad: {  	[dreg:$0x1] =	wrdreg $0xFFFFFFFF  }
0xae: {  	[dreg:$0x0] =	wrdreg $0x60  }
0xaf: {  	[dreg:$0x2] =	wrdreg s18  }
0xb0: {  	[dreg:$0x3] =	wrdreg s24  }
0xb1: {  	[dreg:$0x4] =	wrdreg s2  }
0xb2: {  	[dreg:$0x5] =	wrdreg $0x9  }
0xb3: {  	_ =	task.clear_ibuf [dreg:s8], $0x6FFFF;
	_ =	strace $0x90000046  }
0xb4: {  	s29 =	simm.s32 $0x9;
	_ =	strace $0x80000048  }
0xb5: {  	_ =	swait.ge [sflag:s29], $0x1  }
0xb6: {  	[sflag:s29] =	ssyncadd.s32 $0xFFFFFFFF  }
0xb7: {  	_ =	strace $0x90000048  }
0xb8: {  	_ =	sfence  }
0xb9: {  	s30 =	sld [smem:$0x0];
	_ =	sdelay $0x2  }
0xba: {  	s31 =	sshll.u32 s1, $0xD;
	s1 =	sshrl.u32 s1, $0x2  }
0xbb: {  	s3 =	sand.u32 $0x4000, s31;
	s1 =	sadd.s32 s1, s30  }
0xbc: {  	s0 =	sor.u32 s3, s0;
	s1 =	sshll.u32 s1, $0x11  }
0xbd: {  	s0 =	sor.u32 s1, s0  }
0xbe: {  	s0 =	sadd.s32 $0x8F2B, s0  }
0xbf: {  	[sflag:s0] =	ssyncadd.remote.s32 $0x1  }
0xc0: {  	_ =	sfence.sel $0xFFFF  }
0xc1: {  	[dreg:$0x0] =	wrdreg $0xFFFFFFFF;
	(pc) =	sbr.abs _section_cstart, $3  }
0xc2: {  	[dreg:$0x1] =	wrdreg $0xFFFFFFFF  }
0xc3: {  	_ =	task.clear_ibuf [dreg:s8], $0x2FFFF;
	_ =	strace $0x9FFFFFFF  }
0xc4: {  	(tm) =	ssettm $0x7FFFFFFF  }
0xc5: {  	_ =	shalt  }
tec
execute0_lowered:
.L_overlay_start_1:
0x0: {  	(tag) =	ssettag $0x1  }
0x1: {  	s6 =	rddreg [dreg:$0x1]  }
0x2: {  	s3 =	rddreg [dreg:$0x2]  }
0x3: {  	s0 =	simm.s32 $0x0;
	s30 =	srdreg.scid;
	s4 =	stileid.u32  }
0x4: {  	s13 =	simm.s32 $0x4;
	s12 =	simm.s32 $0x8B00;
	s14 =	simm.s32 $0xAB00  }
0x5: {  	s15 =	simm.s32 $0xB300;
	s16 =	simm.s32 $0xBB00;
	s17 =	simm.s32 $0x1  }
0x6: {  	s18 =	simm.s32 $0x2;
	s19 =	simm.s32 $0x3;
	s20 =	simm.s32 $0xC300  }
0x7: {  	s21 =	simm.s32 $0x0;
	[smem:$0x7FF] =	sst s0;
	s5 =	sadd.s32 $0x2000, s6  }
0x8: {  	s7 =	sadd.s32 $0x4000, s6;
	s8 =	sadd.s32 $0x6000, s6;
	s0 =	sand.u32 $0x1, s30  }
0x9: {  	s9 =	sadd.s32 $0x8000, s6;
	s4 =	sshll.u32 s4, $0xC;
	s1 =	ssub.s32 $0x2, s0  }
0xa: {  	s10 =	sadd.s32 $0xA000, s6;
	s6 =	simm.s32 $0x8300;
	s2 =	sshrl.u32 s1, $0x1  }
0xb: {  	v2 =	vlaneseq.u32;
	_ =	strace $0x80000047;
	s0 =	sshll.u32 s0, $0xB;
	s1 =	ssub.s32 s1, s2  }
0xc: {  	vm0 =	vmmov $0xffff;
	v1 =	vshrl.u32 v2, $0x3;
	s11 =	sor.u32 s0, s4;
	s4 =	simm.s32 $0xA300;
	s31 =	smax.u32 s1, $0x1  }
0xd: {  	v0 =	vand.u32 $0x7, v2;
	v2 =	vor.u32 $0x8, v2;
	v1 =	vmul.u32 $0x8, v1;
	s2 =	simm.s32 $0x9B00;
	s1 =	simm.s32 $0x9300;
	[dreg:$0x4] =	wrdreg s31  }
.LBB2_1:
0xe: {  	[dreg:$0x5] =	wrdreg s21;
	s21 =	simm.s32 $0x0  }
.LBB2_2:
0xf: {  	s22 =	sshll.u32 s21, $0x6  }
0x10: {  	s22 =	sadd.s32 s11, s22  }
0x11: {  	s0 =	rddreg [dreg:$0x0];
	s26 =	sshrl.u32 s22, $0x3  }
0x12: {  	s23 =	simm.s32 $0x0;
	s24 =	sadd.s32 s0, s26  }
0x13: {  	[tilespmem:s23], [sflag:$0x4] =	stream.linear.gather [hbm4b:s24+s23], $0x40, $0x38;
	[tilespmem:$0x10300] =	vst v63  }
0x14: {  	_ =	swait.ge [sflag:s13], $0x40  }
0x15: {  	[sflag:s13] =	ssyncset.done $0x0  }
0x16: {  	[sflag:s13] =	ssyncadd.s32 $0xFFFFFFC0  }
0x17: {  	s25 =	rddreg [dreg:$0x1]  }
0x18: {  	s31 =	simm.s32 $0x80;
	s30 =	sadd.s32 s25, s26  }
0x19: {  	[tilespmem:s31], [sflag:$0x4] =	stream.linear.gather [hbm4b:s30+s23], $0x40, $0x38;
	[tilespmem:$0x10300] =	vst v63  }
0x1a: {  	_ =	swait.ge [sflag:s13], $0x40  }
0x1b: {  	[sflag:s13] =	ssyncset.done $0x0  }
0x1c: {  	s0 =	sadd.s32 s5, s26;
	s25 =	simm.s32 $0x100;
	[sflag:s13] =	ssyncadd.s32 $0xFFFFFFC0  }
0x1d: {  	[tilespmem:s25], [sflag:$0x4] =	stream.linear.gather [hbm4b:s0+s23], $0x40, $0x38;
	[tilespmem:$0x10300] =	vst v63  }
0x1e: {  	_ =	swait.ge [sflag:s13], $0x40  }
0x1f: {  	[sflag:s13] =	ssyncset.done $0x0  }
0x20: {  	s24 =	simm.s32 $0x180;
	s25 =	sadd.s32 s7, s26;
	[sflag:s13] =	ssyncadd.s32 $0xFFFFFFC0  }
0x21: {  	[tilespmem:s24], [sflag:$0x4] =	stream.linear.gather [hbm4b:s25+s23], $0x40, $0x38;
	[tilespmem:$0x10300] =	vst v63  }
0x22: {  	_ =	swait.ge [sflag:s13], $0x40  }
0x23: {  	[sflag:s13] =	ssyncset.done $0x0  }
0x24: {  	s28 =	sadd.s32 s8, s26;
	s25 =	simm.s32 $0x200;
	[sflag:s13] =	ssyncadd.s32 $0xFFFFFFC0  }
0x25: {  	[tilespmem:s25], [sflag:$0x4] =	stream.linear.gather [hbm4b:s28+s23], $0x40, $0x38;
	[tilespmem:$0x10300] =	vst v63  }
0x26: {  	_ =	swait.ge [sflag:s13], $0x40  }
0x27: {  	[sflag:s13] =	ssyncset.done $0x0  }
0x28: {  	s28 =	sadd.s32 s9, s26;
	s26 =	simm.s32 $0x280;
	[sflag:s13] =	ssyncadd.s32 $0xFFFFFFC0  }
0x29: {  	[tilespmem:s26], [sflag:$0x4] =	stream.linear.gather [hbm4b:s28+s23], $0x40, $0x38;
	[tilespmem:$0x10300] =	vst v63  }
0x2a: {  	_ =	swait.ge [sflag:s13], $0x40  }
0x2b: {  	[sflag:s13] =	ssyncset.done $0x0  }
0x2c: {  	[sflag:s13] =	ssyncadd.s32 $0xFFFFFFC0  }
0x2d: {  	v3 =	vld [tilespmem:$0x0];
	_ =	sdelay $0x4  }
0x2e: {  	v4 =	vshll.u32 v3, $0x1  }
0x2f: {  	v3 =	vand.u32 $0x7, v3;
	v4 =	vand.u32 $0xFFFFFFF0, v4  }
0x30: {  	v3 =	vor.u32 v3, v4  }
0x31: {  	v4 =	vperm.xlane v3, v0;
	_ =	sdelay $0x1  }
0x32: {  	v3 =	vperm.xlane v3, v2;
	v4 =	vadd.s32 v1, v4;
	_ =	sdelay $0x1  }
0x33: {  	v3 =	vadd.s32 v1, v3;
	_ =	sdelay $0x1  }
0x34: {  	s30 =	simm.s32 $0x300  }
0x35: {  	[tilespmem:s30], [sflag:$0x1] =	stream.indirect_vreg.gather [hbm4b:s3+s23], $0x80, v4, vm0, $0xb8;
	[tilespmem:$0x10300] =	vst v63  }
0x36: {  	s31 =	simm.s32 $0xB00  }
0x37: {  	[tilespmem:s31], [sflag:$0x1] =	stream.indirect_vreg.gather [hbm4b:s3+s23], $0x80, v3, vm0, $0xb8;
	[tilespmem:$0x10300] =	vst v63  }
0x38: {  	v3 =	vld [tilespmem:$0x10];
	_ =	sdelay $0x4  }
0x39: {  	v4 =	vshll.u32 v3, $0x1  }
0x3a: {  	v3 =	vand.u32 $0x7, v3;
	v4 =	vand.u32 $0xFFFFFFF0, v4  }
0x3b: {  	v3 =	vor.u32 v3, v4  }
0x3c: {  	v4 =	vperm.xlane v3, v0;
	_ =	sdelay $0x1  }
0x3d: {  	v3 =	vperm.xlane v3, v2;
	v4 =	vadd.s32 v1, v4;
	_ =	sdelay $0x1  }
0x3e: {  	v3 =	vadd.s32 v1, v3;
	_ =	sdelay $0x1  }
0x3f: {  	s30 =	simm.s32 $0x1300  }
0x40: {  	[tilespmem:s30], [sflag:$0x1] =	stream.indirect_vreg.gather [hbm4b:s3+s23], $0x80, v4, vm0, $0xb8;
	[tilespmem:$0x10300] =	vst v63  }
0x41: {  	s31 =	simm.s32 $0x1B00  }
0x42: {  	[tilespmem:s31], [sflag:$0x1] =	stream.indirect_vreg.gather [hbm4b:s3+s23], $0x80, v3, vm0, $0xb8;
	[tilespmem:$0x10300] =	vst v63  }
0x43: {  	v3 =	vld [tilespmem:$0x20];
	_ =	sdelay $0x4  }
0x44: {  	v4 =	vshll.u32 v3, $0x1  }
0x45: {  	v3 =	vand.u32 $0x7, v3;
	v4 =	vand.u32 $0xFFFFFFF0, v4  }
0x46: {  	v3 =	vor.u32 v3, v4  }
0x47: {  	v4 =	vperm.xlane v3, v0;
	_ =	sdelay $0x1  }
0x48: {  	v3 =	vperm.xlane v3, v2;
	v4 =	vadd.s32 v1, v4;
	_ =	sdelay $0x1  }
0x49: {  	v3 =	vadd.s32 v1, v3;
	_ =	sdelay $0x1  }
0x4a: {  	s30 =	simm.s32 $0x2300  }
0x4b: {  	[tilespmem:s30], [sflag:$0x1] =	stream.indirect_vreg.gather [hbm4b:s3+s23], $0x80, v4, vm0, $0xb8;
	[tilespmem:$0x10300] =	vst v63  }
0x4c: {  	s31 =	simm.s32 $0x2B00  }
0x4d: {  	[tilespmem:s31], [sflag:$0x1] =	stream.indirect_vreg.gather [hbm4b:s3+s23], $0x80, v3, vm0, $0xb8;
	[tilespmem:$0x10300] =	vst v63  }
0x4e: {  	v3 =	vld [tilespmem:$0x30];
	_ =	sdelay $0x4  }
0x4f: {  	v4 =	vshll.u32 v3, $0x1  }
0x50: {  	v3 =	vand.u32 $0x7, v3;
	v4 =	vand.u32 $0xFFFFFFF0, v4  }
0x51: {  	v3 =	vor.u32 v3, v4  }
0x52: {  	v4 =	vperm.xlane v3, v0;
	_ =	sdelay $0x1  }
0x53: {  	v3 =	vperm.xlane v3, v2;
	v4 =	vadd.s32 v1, v4;
	_ =	sdelay $0x1  }
0x54: {  	v3 =	vadd.s32 v1, v3;
	_ =	sdelay $0x1  }
0x55: {  	s30 =	simm.s32 $0x3300  }
0x56: {  	[tilespmem:s30], [sflag:$0x1] =	stream.indirect_vreg.gather [hbm4b:s3+s23], $0x80, v4, vm0, $0xb8;
	[tilespmem:$0x10300] =	vst v63  }
0x57: {  	s31 =	simm.s32 $0x3B00  }
0x58: {  	[tilespmem:s31], [sflag:$0x1] =	stream.indirect_vreg.gather [hbm4b:s3+s23], $0x80, v3, vm0, $0xb8;
	[tilespmem:$0x10300] =	vst v63  }
0x59: {  	v3 =	vld [tilespmem:$0x80];
	_ =	sdelay $0x4  }
0x5a: {  	v4 =	vshll.u32 v3, $0x1  }
0x5b: {  	v3 =	vand.u32 $0x7, v3;
	v4 =	vand.u32 $0xFFFFFFF0, v4  }
0x5c: {  	v3 =	vor.u32 v3, v4  }
0x5d: {  	v4 =	vperm.xlane v3, v0;
	_ =	sdelay $0x1  }
0x5e: {  	v3 =	vperm.xlane v3, v2;
	v4 =	vadd.s32 v1, v4;
	_ =	sdelay $0x1  }
0x5f: {  	v3 =	vadd.s32 v1, v3;
	_ =	sdelay $0x1  }
0x60: {  	s30 =	simm.s32 $0x4300  }
0x61: {  	[tilespmem:s30], [sflag:$0x2] =	stream.indirect_vreg.gather [hbm4b:s3+s23], $0x80, v4, vm0, $0xb8;
	[tilespmem:$0x10300] =	vst v63  }
0x62: {  	s31 =	simm.s32 $0x4B00  }
0x63: {  	[tilespmem:s31], [sflag:$0x2] =	stream.indirect_vreg.gather [hbm4b:s3+s23], $0x80, v3, vm0, $0xb8;
	[tilespmem:$0x10300] =	vst v63  }
0x64: {  	v3 =	vld [tilespmem:$0x90];
	_ =	sdelay $0x4  }
0x65: {  	v4 =	vshll.u32 v3, $0x1  }
0x66: {  	v3 =	vand.u32 $0x7, v3;
	v4 =	vand.u32 $0xFFFFFFF0, v4  }
0x67: {  	v3 =	vor.u32 v3, v4  }
0x68: {  	v4 =	vperm.xlane v3, v0;
	_ =	sdelay $0x1  }
0x69: {  	v3 =	vperm.xlane v3, v2;
	v4 =	vadd.s32 v1, v4;
	_ =	sdelay $0x1  }
0x6a: {  	v3 =	vadd.s32 v1, v3;
	_ =	sdelay $0x1  }
0x6b: {  	s30 =	simm.s32 $0x5300  }
0x6c: {  	[tilespmem:s30], [sflag:$0x2] =	stream.indirect_vreg.gather [hbm4b:s3+s23], $0x80, v4, vm0, $0xb8;
	[tilespmem:$0x10300] =	vst v63  }
0x6d: {  	s31 =	simm.s32 $0x5B00  }
0x6e: {  	[tilespmem:s31], [sflag:$0x2] =	stream.indirect_vreg.gather [hbm4b:s3+s23], $0x80, v3, vm0, $0xb8;
	[tilespmem:$0x10300] =	vst v63  }
0x6f: {  	v3 =	vld [tilespmem:$0xA0];
	_ =	sdelay $0x4  }
0x70: {  	v4 =	vshll.u32 v3, $0x1  }
0x71: {  	v3 =	vand.u32 $0x7, v3;
	v4 =	vand.u32 $0xFFFFFFF0, v4  }
0x72: {  	v3 =	vor.u32 v3, v4  }
0x73: {  	v4 =	vperm.xlane v3, v0;
	_ =	sdelay $0x1  }
0x74: {  	v3 =	vperm.xlane v3, v2;
	v4 =	vadd.s32 v1, v4;
	_ =	sdelay $0x1  }
0x75: {  	v3 =	vadd.s32 v1, v3;
	_ =	sdelay $0x1  }
0x76: {  	s30 =	simm.s32 $0x6300  }
0x77: {  	[tilespmem:s30], [sflag:$0x2] =	stream.indirect_vreg.gather [hbm4b:s3+s23], $0x80, v4, vm0, $0xb8;
	[tilespmem:$0x10300] =	vst v63  }
0x78: {  	s31 =	simm.s32 $0x6B00  }
0x79: {  	[tilespmem:s31], [sflag:$0x2] =	stream.indirect_vreg.gather [hbm4b:s3+s23], $0x80, v3, vm0, $0xb8;
	[tilespmem:$0x10300] =	vst v63  }
0x7a: {  	v3 =	vld [tilespmem:$0xB0];
	_ =	sdelay $0x4  }
0x7b: {  	v4 =	vshll.u32 v3, $0x1  }
0x7c: {  	v3 =	vand.u32 $0x7, v3;
	v4 =	vand.u32 $0xFFFFFFF0, v4  }
0x7d: {  	v3 =	vor.u32 v3, v4  }
0x7e: {  	v4 =	vperm.xlane v3, v0;
	_ =	sdelay $0x1  }
0x7f: {  	v3 =	vperm.xlane v3, v2;
	v4 =	vadd.s32 v1, v4;
	_ =	sdelay $0x1  }
0x80: {  	v3 =	vadd.s32 v1, v3;
	_ =	sdelay $0x1  }
0x81: {  	s30 =	simm.s32 $0x7300  }
0x82: {  	[tilespmem:s30], [sflag:$0x2] =	stream.indirect_vreg.gather [hbm4b:s3+s23], $0x80, v4, vm0, $0xb8;
	[tilespmem:$0x10300] =	vst v63  }
0x83: {  	s31 =	simm.s32 $0x7B00  }
0x84: {  	[tilespmem:s31], [sflag:$0x2] =	stream.indirect_vreg.gather [hbm4b:s3+s23], $0x80, v3, vm0, $0xb8;
	[tilespmem:$0x10300] =	vst v63  }
0x85: {  	v3 =	vld [tilespmem:$0x100];
	_ =	sdelay $0x4  }
0x86: {  	v4 =	vshll.u32 v3, $0x1  }
0x87: {  	v3 =	vand.u32 $0x7, v3;
	v4 =	vand.u32 $0xFFFFFFF0, v4  }
0x88: {  	v3 =	vor.u32 v3, v4  }
0x89: {  	v4 =	vperm.xlane v3, v0;
	_ =	sdelay $0x1  }
0x8a: {  	v3 =	vperm.xlane v3, v2;
	v4 =	vadd.s32 v1, v4;
	_ =	sdelay $0x1  }
0x8b: {  	v3 =	vadd.s32 v1, v3;
	_ =	sdelay $0x2  }
0x8c: {  	[tilespmem:s6], [sflag:$0x3] =	stream.indirect_vreg.gather [hbm4b:s3+s23], $0x80, v4, vm0, $0xb8;
	[tilespmem:$0x10300] =	vst v63  }
0x8d: {  	_ = 	snop  }
0x8e: {  	[tilespmem:s12], [sflag:$0x3] =	stream.indirect_vreg.gather [hbm4b:s3+s23], $0x80, v3, vm0, $0xb8;
	[tilespmem:$0x10300] =	vst v63  }
0x8f: {  	v3 =	vld [tilespmem:$0x110];
	_ =	sdelay $0x4  }
0x90: {  	v4 =	vshll.u32 v3, $0x1  }
0x91: {  	v3 =	vand.u32 $0x7, v3;
	v4 =	vand.u32 $0xFFFFFFF0, v4  }
0x92: {  	v3 =	vor.u32 v3, v4  }
0x93: {  	v4 =	vperm.xlane v3, v0;
	_ =	sdelay $0x1  }
0x94: {  	v3 =	vperm.xlane v3, v2;
	v4 =	vadd.s32 v1, v4;
	_ =	sdelay $0x1  }
0x95: {  	v3 =	vadd.s32 v1, v3;
	_ =	sdelay $0x2  }
0x96: {  	[tilespmem:s1], [sflag:$0x3] =	stream.indirect_vreg.gather [hbm4b:s3+s23], $0x80, v4, vm0, $0xb8;
	[tilespmem:$0x10300] =	vst v63  }
0x97: {  	_ = 	snop  }
0x98: {  	[tilespmem:s2], [sflag:$0x3] =	stream.indirect_vreg.gather [hbm4b:s3+s23], $0x80, v3, vm0, $0xb8;
	[tilespmem:$0x10300] =	vst v63  }
0x99: {  	v3 =	vld [tilespmem:$0x120];
	_ =	sdelay $0x4  }
0x9a: {  	v4 =	vshll.u32 v3, $0x1  }
0x9b: {  	v3 =	vand.u32 $0x7, v3;
	v4 =	vand.u32 $0xFFFFFFF0, v4  }
0x9c: {  	v3 =	vor.u32 v3, v4  }
0x9d: {  	v4 =	vperm.xlane v3, v0;
	_ =	sdelay $0x1  }
0x9e: {  	v3 =	vperm.xlane v3, v2;
	v4 =	vadd.s32 v1, v4;
	_ =	sdelay $0x1  }
0x9f: {  	v3 =	vadd.s32 v1, v3;
	_ =	sdelay $0x2  }
0xa0: {  	[tilespmem:s4], [sflag:$0x3] =	stream.indirect_vreg.gather [hbm4b:s3+s23], $0x80, v4, vm0, $0xb8;
	[tilespmem:$0x10300] =	vst v63  }
0xa1: {  	_ = 	snop  }
0xa2: {  	[tilespmem:s14], [sflag:$0x3] =	stream.indirect_vreg.gather [hbm4b:s3+s23], $0x80, v3, vm0, $0xb8;
	[tilespmem:$0x10300] =	vst v63  }
0xa3: {  	v3 =	vld [tilespmem:$0x130];
	_ =	sdelay $0x4  }
0xa4: {  	v4 =	vshll.u32 v3, $0x1  }
0xa5: {  	v3 =	vand.u32 $0x7, v3;
	v4 =	vand.u32 $0xFFFFFFF0, v4  }
0xa6: {  	v3 =	vor.u32 v3, v4  }
0xa7: {  	v4 =	vperm.xlane v3, v0;
	_ =	sdelay $0x1  }
0xa8: {  	v3 =	vperm.xlane v3, v2;
	v4 =	vadd.s32 v1, v4;
	_ =	sdelay $0x1  }
0xa9: {  	v3 =	vadd.s32 v1, v3;
	_ =	sdelay $0x2  }
0xaa: {  	[tilespmem:s15], [sflag:$0x3] =	stream.indirect_vreg.gather [hbm4b:s3+s23], $0x80, v4, vm0, $0xb8;
	[tilespmem:$0x10300] =	vst v63  }
0xab: {  	_ = 	snop  }
0xac: {  	[tilespmem:s16], [sflag:$0x3] =	stream.indirect_vreg.gather [hbm4b:s3+s23], $0x80, v3, vm0, $0xb8;
	[tilespmem:$0x10300] =	vst v63  }
0xad: {  	_ =	swait.ge [sflag:s17], $0x4000  }
0xae: {  	[sflag:s17] =	ssyncset.done $0x0  }
0xaf: {  	[sflag:s17] =	ssyncadd.s32 $0xFFFFC000  }
0xb0: {  	_ =	swait.ge [sflag:s18], $0x4000  }
0xb1: {  	[sflag:s18] =	ssyncset.done $0x0  }
0xb2: {  	[sflag:s18] =	ssyncadd.s32 $0xFFFFC000  }
0xb3: {  	_ =	swait.ge [sflag:s19], $0x4000  }
0xb4: {  	s28 =	sand.u32 $0x3800, s23;
	s23 =	sand.u32 $0x380, s23;
	[sflag:s19] =	ssyncset.done $0x0  }
0xb5: {  	s23 =	sor.u32 s23, s28;
	[sflag:s19] =	ssyncadd.s32 $0xFFFFC000  }
0xb6: {  	v32 =	vld [tilespmem:s23+$0x300]  }
0xb7: {  	v11 =	vld [tilespmem:s23+$0x4300]  }
0xb8: {  	v13 =	vld [tilespmem:s23+$0x310]  }
0xb9: {  	v16 =	vld [tilespmem:s23+$0x4310]  }
0xba: {  	v22 =	vld [tilespmem:s23+$0x320]  }
0xbb: {  	v12 =	vld [tilespmem:s23+$0x4320]  }
0xbc: {  	v9 =	vld [tilespmem:s23+$0x330]  }
0xbd: {  	v19 =	vld [tilespmem:s23+$0x4330]  }
0xbe: {  	v8 =	vld [tilespmem:s23+$0x340]  }
0xbf: {  	v24 =	vld [tilespmem:s23+$0x4340]  }
0xc0: {  	v18 =	vld [tilespmem:s23+$0x350]  }
0xc1: {  	v5 =	vld [tilespmem:s23+$0x8360]  }
0xc2: {  	v4 =	vld [tilespmem:s23+$0x8330]  }
0xc3: {  	v6 =	vld [tilespmem:s23+$0x8720]  }
0xc4: {  	v3 =	vld [tilespmem:s23+$0x8730]  }
0xc5: {  	v7 =	vld [tilespmem:s23+$0x4710]  }
0xc6: {  	v10 =	vld [tilespmem:s23+$0x4730]  }
0xc7: {  	v15 =	vld [tilespmem:s23+$0x360]  }
0xc8: {  	v17 =	vld [tilespmem:s23+$0x8340]  }
0xc9: {  	v23 =	vld [tilespmem:s23+$0x8350]  }
0xca: {  	v25 =	vld [tilespmem:s23+$0x8320]  }
0xcb: {  	v39 =	vld [tilespmem:s23+$0x4770]  }
0xcc: {  	v31 =	vld [tilespmem:s23+$0x8300]  }
0xcd: {  	v29 =	vld [tilespmem:s23+$0x740]  }
0xce: {  	v34 =	vld [tilespmem:s23+$0x8700]  }
0xcf: {  	v35 =	vld [tilespmem:s23+$0x8740]  }
0xd0: {  	v40 =	vld [tilespmem:s23+$0x710]  }
0xd1: {  	v28 =	vld [tilespmem:s23+$0x770]  }
0xd2: {  	v42 =	vld [tilespmem:s23+$0x4720]  }
0xd3: {  	v33 =	vld [tilespmem:s23+$0x8370]  }
0xd4: {  	v26 =	vld [tilespmem:s23+$0x730]  }
0xd5: {  	v38 =	vld [tilespmem:s23+$0x4760]  }
0xd6: {  	v44 =	vld [tilespmem:s23+$0x8770]  }
0xd7: {  	v30 =	vld [tilespmem:s23+$0x750]  }
0xd8: {  	v20 =	vld.msk [tilespmem:s24+$0x0 ss:$0x0], $0xffff  }
0xd9: {  	v27 =	vld.msk [tilespmem:s25+$0x0 ss:$0x0], $0xffff  }
0xda: {  	v36 =	vld [tilespmem:s23+$0x4370]  }
0xdb: {  	v14 =	vld.msk [tilespmem:s26+$0x0 ss:$0x0], $0xffff  }
0xdc: {  	v21 =	vld [tilespmem:s23+$0x8710]  }
0xdd: {  	v45 =	vld [tilespmem:s23+$0x700]  }
0xde: {  	v50 =	vld [tilespmem:s23+$0x4740];
	v49 =	vmul.f32 v13, v20;
	v30 =	vmul.f32 v30, v20  }
0xdf: {  	v46 =	vld [tilespmem:s23+$0x370];
	v43 =	vmul.f32 v36, v27;
	v26 =	vmul.f32 v26, v20  }
0xe0: {  	v37 =	vld [tilespmem:s23+$0x8310];
	v51 =	vmul.f32 v16, v27;
	v41 =	vmul.f32 v22, v20  }
0xe1: {  	v47 =	vld [tilespmem:s23+$0x4360];
	v16 =	vmul.f32 v28, v20;
	v13 =	vmul.f32 v44, v14  }
0xe2: {  	v48 =	vld [tilespmem:s23+$0x4350];
	v33 =	vmul.f32 v33, v14;
	v28 =	vmul.f32 v38, v27  }
0xe3: {  	s29 =	simm.s32 $0x100;
	s28 =	simm.s32 $0x201;
	v36 =	vld [tilespmem:s23+$0x8750];
	v38 =	vmul.f32 v50, v27;
	v22 =	vmul.f32 v39, v27  }
0xe4: {  	s24 =	simm.s32 $0x181;
	s25 =	simm.s32 $0x80;
	s26 =	simm.s32 $0x281;
	v44 =	vmul.f32 v32, v20;
	v42 =	vmul.f32 v42, v27;
	v39 =	vadd.f32 v51, v49;
	v49 =	vld [tilespmem:s23+$0x4700]  }
.LBB2_3:
0xe5: {  	s31 =	smov.u32 s29  }
0xe6: {  	s30 =	sand.u32 $0x3800, s29;
	s0 =	sand.u32 $0x380, s25;
	v50 =	vmul.f32 v24, v27;
	v24 =	vmul.f32 v46, v20;
	v46 =	vld [tilespmem:s23+$0x4750];
	s31 =	sadd.s32 $0x100, s29  }
0xe7: {  	p0 =	sne.s32 s29, $0x3F00;
	v51 =	vmul.f32 v19, v27;
	v19 =	vmul.f32 v45, v20;
	s30 =	sor.u32 s0, s30;
	v45 =	vld [tilespmem:s23+$0x720]  }
0xe8: {  	v52 =	vmul.f32 v37, v14;
	v47 =	vmul.f32 v47, v27;
	v32 =	vld [tilespmem:s30+$0x300]  }
0xe9: {  	v54 =	vmul.f32 v36, v14;
	v48 =	vmul.f32 v48, v27;
	v53 =	vld [tilespmem:s30+$0x4300]  }
0xea: {  	v18 =	vmul.f32 v18, v20;
	v43 =	vadd.f32 v43, v24;
	v24 =	vmul.f32 v49, v27;
	v37 =	vld [tilespmem:s30+$0x310]  }
0xeb: {  	v40 =	vmul.f32 v40, v20;
	v56 =	vadd.f32 v52, v39;
	v49 =	vmul.f32 v11, v27;
	v36 =	vld [tilespmem:s30+$0x4310]  }
0xec: {  	v52 =	vmul.f32 v9, v20;
	v48 =	vadd.f32 v48, v18;
	v46 =	vmul.f32 v46, v27;
	v39 =	vld [tilespmem:s30+$0x320]  }
0xed: {  	v35 =	vmul.f32 v35, v14;
	v18 =	vmul.f32 v45, v20;
	v55 =	vld [tilespmem:s30+$0x4320];
	[tilespmem:s23+$0xC310] =	vst v56  }
0xee: {  	v12 =	vmul.f32 v12, v27;
	v34 =	vmul.f32 v34, v14;
	v24 =	vadd.f32 v24, v19;
	v9 =	vld [tilespmem:s30+$0x330];
	v11 =	vmovc v53  }
0xef: {  	v31 =	vmul.f32 v31, v14;
	v44 =	vadd.f32 v49, v44;
	v42 =	vadd.f32 v42, v18;
	v19 =	vld [tilespmem:s30+$0x4330]  }
0xf0: {  	v25 =	vmul.f32 v25, v14;
	v29 =	vmul.f32 v29, v20;
	v34 =	vadd.f32 v34, v24;
	v45 =	vld [tilespmem:s30+$0x340]  }
0xf1: {  	v8 =	vmul.f32 v8, v20;
	v23 =	vmul.f32 v23, v14;
	v31 =	vadd.f32 v31, v44;
	v24 =	vld [tilespmem:s30+$0x4340]  }
0xf2: {  	v41 =	vadd.f32 v12, v41;
	v49 =	vmul.f32 v15, v20;
	v44 =	vmul.f32 v17, v14;
	v18 =	vld [tilespmem:s30+$0x350];
	[tilespmem:s23+$0xC700] =	vst v34  }
0xf3: {  	v15 =	vadd.f32 v46, v30;
	[tilespmem:s23+$0xC300] =	vst v31;
	v31 =	vadd.f32 v50, v8;
	v50 =	vmul.f32 v10, v27;
	v10 =	vld [tilespmem:s23+$0x760]  }
0xf4: {  	v3 =	vmul.f32 v3, v14;
	v17 =	vadd.f32 v47, v49;
	v12 =	vmovc v55;
	v27 =	vmul.f32 v7, v27;
	v30 =	vld [tilespmem:s23+$0x8760]  }
0xf5: {  	v7 =	vadd.f32 v23, v48;
	v23 =	vmul.f32 v6, v14;
	v34 =	vld [tilespmem:s30+$0x8360];
	v26 =	vadd.f32 v50, v26;
	v8 =	vmovc v45  }
0xf6: {  	v29 =	vadd.f32 v38, v29;
	v46 =	vmul.f32 v4, v14;
	v45 =	vadd.f32 v51, v52;
	v4 =	vld [tilespmem:s30+$0x8330]  }
0xf7: {  	v5 =	vmul.f32 v5, v14;
	v23 =	vadd.f32 v23, v42;
	v6 =	vld [tilespmem:s30+$0x8720];
	[tilespmem:s23+$0xC350] =	vst v7;
	v26 =	vadd.f32 v3, v26  }
0xf8: {  	v33 =	vadd.f32 v33, v43;
	v38 =	vadd.f32 v46, v45;
	v3 =	vld [tilespmem:s30+$0x8730];
	v20 =	vmul.f32 v10, v20  }
0xf9: {  	v21 =	vmul.f32 v21, v14;
	v42 =	vadd.f32 v5, v17;
	v17 =	vadd.f32 v35, v29;
	v7 =	vld [tilespmem:s30+$0x4710];
	[tilespmem:s23+$0xC720] =	vst v23  }
0xfa: {  	v14 =	vmul.f32 v30, v14;
	v10 =	vld [tilespmem:s30+$0x4730];
	[tilespmem:s23+$0xC370] =	vst v33;
	v33 =	vadd.f32 v54, v15;
	v20 =	vadd.f32 v28, v20  }
0xfb: {  	v25 =	vadd.f32 v25, v41;
	v27 =	vadd.f32 v27, v40;
	v5 =	vmov v34;
	v15 =	vld [tilespmem:s30+$0x360];
	[tilespmem:s23+$0xC740] =	vst v17  }
0xfc: {  	v28 =	vadd.f32 v44, v31;
	v17 =	vld [tilespmem:s30+$0x8340];
	[tilespmem:s23+$0xC330] =	vst v38;
	v14 =	vadd.f32 v14, v20  }
0xfd: {  	v20 =	vadd.f32 v21, v27;
	v23 =	vld [tilespmem:s30+$0x8350];
	[tilespmem:s23+$0xC320] =	vst v25  }
0xfe: {  	v16 =	vadd.f32 v22, v16;
	v25 =	vld [tilespmem:s30+$0x8320];
	[tilespmem:s23+$0xC340] =	vst v28  }
0xff: {  	v22 =	vld [tilespmem:s30+$0x4770];
	[tilespmem:s23+$0xC360] =	vst v42  }
0x100: {  	v13 =	vadd.f32 v13, v16;
	v31 =	vld [tilespmem:s30+$0x8300];
	[tilespmem:s23+$0xC710] =	vst v20  }
0x101: {  	v29 =	vld [tilespmem:s30+$0x740];
	[tilespmem:s23+$0xC760] =	vst v14  }
0x102: {  	v34 =	vld [tilespmem:s30+$0x8700];
	[tilespmem:s23+$0xC750] =	vst v33  }
0x103: {  	v35 =	vld [tilespmem:s30+$0x8740];
	[tilespmem:s23+$0xC730] =	vst v26  }
0x104: {  	v40 =	vld [tilespmem:s30+$0x710];
	[tilespmem:s23+$0xC770] =	vst v13;
	s23 =	smov.u32 s30  }
0x105: {  	v13 =	vld [tilespmem:s23+$0x770]  }
0x106: {  	v42 =	vld [tilespmem:s23+$0x4720]  }
0x107: {  	v28 =	vld [tilespmem:s23+$0x8370]  }
0x108: {  	v16 =	vld [tilespmem:s23+$0x730]  }
0x109: {  	v38 =	vld [tilespmem:s23+$0x4760]  }
0x10a: {  	v33 =	vld [tilespmem:s23+$0x8770]  }
0x10b: {  	v26 =	vld [tilespmem:s23+$0x750]  }
0x10c: {  	v20 =	vld.msk [tilespmem:s24+$0x0 ss:$0x0], $0xffff  }
0x10d: {  	v27 =	vld.msk [tilespmem:s28+$0x0 ss:$0x0], $0xffff  }
0x10e: {  	v41 =	vld [tilespmem:s23+$0x4370]  }
0x10f: {  	v14 =	vld.msk [tilespmem:s26+$0x0 ss:$0x0], $0xffff  }
0x110: {  	v21 =	vld [tilespmem:s23+$0x8710]  }
0x111: {  	v45 =	vld [tilespmem:s23+$0x700]  }
0x112: {  	v44 =	vmul.f32 v37, v20;
	v30 =	vmul.f32 v26, v20;
	v49 =	vld [tilespmem:s23+$0x4740]  }
0x113: {  	v26 =	vmul.f32 v16, v20;
	v46 =	vld [tilespmem:s23+$0x370];
	v43 =	vmul.f32 v41, v27  }
.Ltmp0:
0x114: {  	v47 =	vmul.f32 v36, v27;
	v41 =	vmul.f32 v39, v20;
	v36 =	vld [tilespmem:s23+$0x8750];
	(pc) =	sbr.rel @p0 .LBB2_3-.Ltmp0, $4  }
0x115: {  	v16 =	vmul.f32 v13, v20;
	v13 =	vmul.f32 v33, v14;
	v37 =	vld [tilespmem:s23+$0x8310]  }
0x116: {  	v39 =	vadd.f32 v47, v44;
	v33 =	vmul.f32 v28, v14;
	v28 =	vmul.f32 v38, v27;
	v47 =	vld [tilespmem:s23+$0x4360]  }
0x117: {  	s25 =	sadd.s32 $0x80, s25;
	s24 =	sadd.s32 $0x1, s24;
	v22 =	vmul.f32 v22, v27;
	v48 =	vld [tilespmem:s23+$0x4350];
	v38 =	vmul.f32 v49, v27  }
0x118: {  	s29 =	smov.u32 s31;
	s28 =	sadd.s32 $0x1, s28;
	s26 =	sadd.s32 $0x1, s26;
	v42 =	vmul.f32 v42, v27;
	v44 =	vmul.f32 v32, v20;
	v49 =	vld [tilespmem:s23+$0x4700]  }
0x119: {  	v24 =	vmul.f32 v24, v27;
	v32 =	vmul.f32 v46, v20  }
0x11a: {  	v19 =	vmul.f32 v19, v27;
	v45 =	vmul.f32 v45, v20  }
0x11b: {  	v18 =	vmul.f32 v18, v20;
	v11 =	vmul.f32 v11, v27  }
0x11c: {  	v60 =	vmul.f32 v40, v20;
	v9 =	vmul.f32 v9, v20  }
0x11d: {  	v34 =	vmul.f32 v34, v14;
	v31 =	vmul.f32 v31, v14  }
0x11e: {  	v35 =	vmul.f32 v35, v14;
	v12 =	vmul.f32 v12, v27  }
0x11f: {  	v25 =	vmul.f32 v25, v14;
	v29 =	vmul.f32 v29, v20  }
0x120: {  	v23 =	vmul.f32 v23, v14;
	v8 =	vmul.f32 v8, v20  }
0x121: {  	v6 =	vmul.f32 v6, v14;
	v37 =	vmul.f32 v37, v14  }
0x122: {  	v46 =	vmul.f32 v17, v14;
	v15 =	vmul.f32 v15, v20;
	v11 =	vadd.f32 v11, v44  }
0x123: {  	v50 =	vld [tilespmem:s23+$0x720];
	v4 =	vmul.f32 v4, v14;
	v29 =	vadd.f32 v38, v29;
	v37 =	vadd.f32 v37, v39  }
0x124: {  	v5 =	vmul.f32 v5, v14;
	v9 =	vadd.f32 v19, v9;
	v11 =	vadd.f32 v31, v11  }
0x125: {  	v47 =	vmul.f32 v47, v27;
	v8 =	vadd.f32 v24, v8;
	v51 =	vadd.f32 v35, v29;
	[tilespmem:s23+$0xC310] =	vst v37  }
0x126: {  	v58 =	vld [tilespmem:s23+$0x4750];
	v32 =	vadd.f32 v43, v32;
	v48 =	vmul.f32 v48, v27;
	v4 =	vadd.f32 v4, v9;
	[tilespmem:s23+$0xC300] =	vst v11  }
0x127: {  	v59 =	vmul.f32 v49, v27;
	v15 =	vadd.f32 v47, v15;
	v54 =	vadd.f32 v46, v8;
	[tilespmem:s23+$0xC740] =	vst v51  }
0x128: {  	v63 =	vmul.f32 v50, v20;
	v18 =	vadd.f32 v48, v18;
	v50 =	vadd.f32 v33, v32;
	[tilespmem:s23+$0xC330] =	vst v4  }
0x129: {  	v10 =	vmul.f32 v10, v27;
	v48 =	vld [tilespmem:s23+$0x760];
	v61 =	vadd.f32 v59, v45;
	v5 =	vadd.f32 v5, v15;
	[tilespmem:s23+$0xC340] =	vst v54  }
0x12a: {  	v3 =	vmul.f32 v3, v14;
	v45 =	vadd.f32 v12, v41;
	v18 =	vadd.f32 v23, v18;
	[tilespmem:s23+$0xC370] =	vst v50  }
0x12b: {  	v49 =	vld [tilespmem:s23+$0x8760];
	v62 =	vmul.f32 v58, v27;
	v59 =	vadd.f32 v10, v26;
	v34 =	vadd.f32 v34, v61;
	[tilespmem:s23+$0xC360] =	vst v5  }
0x12c: {  	v7 =	vmul.f32 v7, v27;
	v44 =	vadd.f32 v42, v63;
	v11 =	vadd.f32 v25, v45;
	[tilespmem:s23+$0xC350] =	vst v18  }
0x12d: {  	v57 =	vmul.f32 v36, v14;
	v58 =	vadd.f32 v62, v30;
	v3 =	vadd.f32 v3, v59;
	[tilespmem:s23+$0xC700] =	vst v34  }
0x12e: {  	v62 =	vadd.f32 v22, v16;
	v6 =	vadd.f32 v6, v44;
	v52 =	vmul.f32 v48, v20;
	[tilespmem:s23+$0xC320] =	vst v11  }
0x12f: {  	v53 =	vmul.f32 v21, v14;
	v7 =	vadd.f32 v7, v60;
	v61 =	vadd.f32 v57, v58;
	[tilespmem:s23+$0xC730] =	vst v3  }
0x130: {  	v56 =	vmul.f32 v49, v14;
	v63 =	vadd.f32 v13, v62;
	[tilespmem:s23+$0xC720] =	vst v6;
	v55 =	vadd.f32 v28, v52  }
0x131: {  	v6 =	vadd.f32 v53, v7;
	[tilespmem:s23+$0xC750] =	vst v61  }
0x132: {  	s21 =	sadd.s32 $0x1, s21;
	[tilespmem:s23+$0xC770] =	vst v63;
	v60 =	vadd.f32 v56, v55  }
0x133: {  	s0 =	sshll.u32 s22, $0x5;
	p0 =	sne.s32 s21, $0x20;
	[tilespmem:s23+$0xC710] =	vst v6  }
.Ltmp1:
0x134: {  	s31 =	simm.s32 $0x0;
	s0 =	sadd.s32 s10, s0;
	[tilespmem:s23+$0xC760] =	vst v60;
	(pc) =	sbr.rel @p0 .LBB2_2-.Ltmp1, $4  }
0x135: {  	[hbm4b:s0+s31] =	stream.linear.scatter [tilespmem:s20], [sflag:$0x4], $0x4000, $0x38;
	[tilespmem:$0x10300] =	vst v63  }
0x136: {  	_ =	swait.ge [sflag:s13], $0x4000  }
0x137: {  	[sflag:s13] =	ssyncset.done $0x0  }
0x138: {  	[sflag:s13] =	ssyncadd.s32 $0xFFFFC000  }
0x139: {  	s21 =	rddreg [dreg:$0x5]  }
0x13a: {  	s0 =	rddreg [dreg:$0x4];
	s21 =	sadd.s32 $0x1, s21  }
0x13b: {  	p0 =	sne.s32 s21, s0  }
.Ltmp2:
0x13c: {  	_ = 	snop;
	(pc) =	sbr.rel @p0 .LBB2_1-.Ltmp2, $1  }
0x13d: {  	_ =	sdelay $0x3  }
0x13e: {  	_ =	sfence.sel $0x180000  }
0x13f: {  	[bflag:$0x0] =	sbarrier.arrive $0xFFFF  }
0x140: {  	_ =	strace $0x90000047  }
0x141: {  	s0 =	stileid.u32;
	[bflag:$0x2] =	sbarrier.arrive $0xFFFF  }
0x142: {  	p0 =	sne.s32 s0, $0x0;
	s0 =	rddreg [dreg:$0x3]  }
0x143: {  	s0 =	sadd.s32 @!p0 $0x100000, s0  }
0x144: {  	[sflag:s0] =	ssyncadd.tile.s32 @!p0 $0x1;
	_ =	shalt  }
.Lfunc_end2:
_tile_overlayer_lowered:
.L_overlay_start_2:
0x145: {  	(tag) =	ssettag $0x2  }
0x146: {  	s0 =	rddreg [dreg:$0x0];
	s2 =	stileid.u32  }
0x147: {  	s1 =	rddreg [dreg:$0x1];
	p0 =	sne.s32 s2, $0x0  }
0x148: {  	s3 =	rddreg [dreg:$0x2];
	[bflag:$0x3] =	sbarrier.arrive $0xFFFF;
	s2 =	simm.s32 @!p0 $0x1C04  }
0x149: {  	[timem:s3], [sflag:s2] =	dma.local @!p0 [hbm:s0], s1  }
0x14a: {  	s0 =	simm.s32 @!p0 $0x4  }
0x14b: {  	_ =	swait.ge @!p0 [sflag:s0], s1  }
0x14c: {  	s1 =	ssub.s32 @!p0 $0x0, s1;
	[sflag:s0] =	ssyncset.done @!p0 $0x0  }
0x14d: {  	[sflag:s0] =	ssyncadd.s32 @!p0 s1  }
0x14e: {  	[bflag:$0x3] =	sbarrier.arrive $0xFFFF  }
0x14f: {  	_ =	shalt  }

</sc_bundles>
